<compile_context>
chip_gen: v7x
topology: tpu7x:2x2x1
jax: 0.10.2.dev20260603
libtpu: 0.0.44.dev20260713+nightly
codegen_flags: <defaults>
</compile_context>

<pallas_src>
import jax
import jax.numpy as jnp
from jax import lax
from jax.experimental import pallas as pl
from jax.experimental.pallas import tpu as pltpu
from jax.experimental.pallas import tpu_sc as plsc

NUM_CORES = 2
NUM_SUBCORES = 16
NUM_WORKERS = NUM_CORES * NUM_SUBCORES
LANES = 16
HALF = 8


def _mf_body(uidx_hbm, iidx_hbm, utab_hbm, itab_hbm, out_hbm,
             idx_uv, idx_iv, sbuf_u, sbuf_i, prod, out_v,
             sem_u, sem_i):
    b_per_w = idx_uv.shape[0]
    embed = utab_hbm.shape[0]
    wid = lax.axis_index("s") * NUM_CORES + lax.axis_index("c")
    base = wid * b_per_w

    pltpu.sync_copy(uidx_hbm.at[pl.ds(base, b_per_w)], idx_uv)
    pltpu.sync_copy(iidx_hbm.at[pl.ds(base, b_per_w)], idx_iv)

    lane = lax.iota(jnp.int32, LANES)
    half_w = HALF * 128

    def group_body(g, carry):
        g0 = g * LANES
        vu = idx_uv[pl.ds(g0, LANES)]
        vi = idx_iv[pl.ds(g0, LANES)]
        cb_u = (vu >> 7) << 7
        cb_i = (vi >> 7) << 7
        col_u = (lane & (HALF - 1)) * 128 + (vu & 127)
        col_i = (lane & (HALF - 1)) * 128 + (vi & 127)
        for h in range(LANES // HALF):
            for j in range(HALF):
                k = h * HALF + j
                cbu = pl.multiple_of(cb_u[k], 128)
                cbi = pl.multiple_of(cb_i[k], 128)
                pltpu.async_copy(utab_hbm.at[:, pl.ds(cbu, 128)],
                                 sbuf_u.at[:, pl.ds(j * 128, 128)], sem_u)
                pltpu.async_copy(itab_hbm.at[:, pl.ds(cbi, 128)],
                                 sbuf_i.at[:, pl.ds(j * 128, 128)], sem_i)
            pltpu.make_async_copy(utab_hbm.at[:, pl.ds(0, half_w)], sbuf_u,
                                  sem_u).wait()
            pltpu.make_async_copy(itab_hbm.at[:, pl.ds(0, half_w)], sbuf_i,
                                  sem_i).wait()
            for j in range(HALF):
                k = h * HALF + j
                cu = jnp.full((LANES,), col_u[k], jnp.int32)
                ci = jnp.full((LANES,), col_i[k], jnp.int32)
                u_lo = plsc.load_gather(sbuf_u, [lane, cu])
                u_hi = plsc.load_gather(sbuf_u, [lane + LANES, cu])
                v_lo = plsc.load_gather(sbuf_i, [lane, ci])
                v_hi = plsc.load_gather(sbuf_i, [lane + LANES, ci])
                prod[pl.ds(k * LANES, LANES)] = u_lo * v_lo + u_hi * v_hi
        acc = jnp.zeros((LANES,), jnp.float32)
        stride_idx = LANES * lane
        for k in range(LANES):
            acc = acc + plsc.load_gather(prod, [stride_idx + k])
        sig = 1.0 / (1.0 + jnp.exp(-acc))
        out_v[pl.ds(g0, LANES)] = sig
        return carry

    lax.fori_loop(0, b_per_w // LANES, group_body, 0)
    pltpu.sync_copy(out_v, out_hbm.at[pl.ds(base, b_per_w)])


def kernel(x, user_emb_table, item_emb_table):
    batch = x.shape[0]
    embed = user_emb_table.shape[1]
    b_per_w = batch // NUM_WORKERS
    user_idx = x[:, 0]
    item_idx = x[:, 1]
    mesh = plsc.VectorSubcoreMesh(core_axis_name="c", subcore_axis_name="s")
    f = pl.kernel(
        _mf_body,
        out_type=jax.ShapeDtypeStruct((batch,), jnp.float32),
        mesh=mesh,
        compiler_params=pltpu.CompilerParams(needs_layout_passes=False,
                                             use_tc_tiling_on_sc=True),
        scratch_types=[
            pltpu.VMEM((b_per_w,), jnp.int32),
            pltpu.VMEM((b_per_w,), jnp.int32),
            pltpu.VMEM((embed, HALF * 128), jnp.float32),
            pltpu.VMEM((embed, HALF * 128), jnp.float32),
            pltpu.VMEM((LANES * LANES,), jnp.float32),
            pltpu.VMEM((b_per_w,), jnp.float32),
            pltpu.SemaphoreType.DMA,
            pltpu.SemaphoreType.DMA,
        ],
    )
    return f(user_idx, item_idx, user_emb_table.T, item_emb_table.T)

# --- scband reference (transcript-rebuilt; emitter-appended) ---
"""Pipeline reference for scband-mf-4750233829564 (READ-ONLY COPY).

The authoritative reference and input builder live on the scoring server;
editing this copy changes nothing except your own understanding.
"""

import jax, jax.numpy as jnp
import numpy as np

NUM_USERS = 1000000
NUM_ITEMS = 1000000
EMBED_K = 32
BATCH = 16384

def setup_inputs(seed: int = 0) -> dict:
    key = jax.random.key(seed)
    k1, k2, k3 = jax.random.split(key, 3)
    x = jax.random.randint(k1, (BATCH, 2), 0, NUM_USERS, dtype=jnp.int64 if jax.config.jax_enable_x64 else jnp.int32).astype(jnp.int32)
    user_emb_table = jax.random.normal(k2, (NUM_USERS, EMBED_K), dtype=jnp.float32)
    item_emb_table = jax.random.normal(k3, (NUM_ITEMS, EMBED_K), dtype=jnp.float32)
    return {"x": x, "user_emb_table": user_emb_table, "item_emb_table": item_emb_table}

def reference(x, user_emb_table, item_emb_table):
    user_idx = x[:, 0]
    item_idx = x[:, 1]
    user_emb = jnp.take(user_emb_table, user_idx, axis=0)
    item_emb = jnp.take(item_emb_table, item_idx, axis=0)
    out = jax.nn.sigmoid(jnp.sum(user_emb * item_emb, axis=1))
    return out

if __name__ == "__main__":
    import jax
    _d = setup_inputs()
    print(jax.jit(kernel)(*tuple(_d.values())))

</pallas_src>

<mosaic_0001>
#map = affine_map<(d0, d1) -> (0)>
#map1 = affine_map<(d0, d1) -> (0, 0)>
module attributes {stable_mosaic.version = 14 : i64} {
  func.func @_mf_body(%arg0: i32, %arg1: i32, %arg2: memref<16384xi32, #tpu.memory_space<hbm>>, %arg3: memref<16384xi32, #tpu.memory_space<hbm>>, %arg4: memref<32x1000000xf32, #tpu.memory_space<hbm>>, %arg5: memref<32x1000000xf32, #tpu.memory_space<hbm>>, %arg6: memref<16384xf32, #tpu.memory_space<hbm>>, %arg7: memref<512xi32, #tpu.memory_space<vmem>>, %arg8: memref<512xi32, #tpu.memory_space<vmem>>, %arg9: memref<32x1024xf32, #tpu.memory_space<vmem>>, %arg10: memref<32x1024xf32, #tpu.memory_space<vmem>>, %arg11: memref<256xf32, #tpu.memory_space<vmem>>, %arg12: memref<512xf32, #tpu.memory_space<vmem>>, %arg13: memref<!tpu.dma_semaphore, #tpu.memory_space<semaphore_mem>>, %arg14: memref<!tpu.dma_semaphore, #tpu.memory_space<semaphore_mem>>) attributes {dimension_semantics = [#tpu.dimension_semantics<core_parallel>, #tpu.dimension_semantics<subcore_parallel>], iteration_bounds = array<i64: 2, 16>, scalar_prefetch = 0 : i64, scratch_operands = 8 : i64, tpu.core_type = #tpu.core_type<sc_vector_subcore>, window_params = [{transform_indices = #map}, {transform_indices = #map}, {transform_indices = #map1}, {transform_indices = #map1}, {transform_indices = #map}]} {
    %mul3A = arith.constant 2 : i32
    %mul3A_0 = arith.muli %arg1, %mul3A : i32
    %add3A = arith.addi %mul3A_0, %arg0 : i32
    %mul3A_1 = arith.constant 512 : i32
    %mul3A_2 = arith.muli %add3A, %mul3A_1 : i32
    "tpu.region"() ({
      %run_scoped3A = tpu.sem_alloc : memref<!tpu.dma_semaphore, #tpu.memory_space<semaphore_mem>>
      %dma_start3A = tpu.memref_slice %arg2[%mul3A_2] : memref<16384xi32, #tpu.memory_space<hbm>> -> memref<512xi32, #tpu.memory_space<hbm>>
      %dma_start3A_8 = tpu.memref_slice %arg2[%mul3A_2] : memref<16384xi32, #tpu.memory_space<hbm>> -> memref<512xi32, #tpu.memory_space<hbm>>
      tpu.enqueue_dma source(%dma_start3A_8 : memref<512xi32, #tpu.memory_space<hbm>>) target(%arg7 : memref<512xi32, #tpu.memory_space<vmem>>) target_semaphore(%run_scoped3A : memref<!tpu.dma_semaphore, #tpu.memory_space<semaphore_mem>>)
      %dma_wait3A = tpu.memref_slice %arg2[%mul3A_2] : memref<16384xi32, #tpu.memory_space<hbm>> -> memref<512xi32, #tpu.memory_space<hbm>>
      %dma_wait3A_9 = tpu.memref_slice %arg2[%mul3A_2] : memref<16384xi32, #tpu.memory_space<hbm>> -> memref<512xi32, #tpu.memory_space<hbm>>
      tpu.wait_dma2 semaphore(%run_scoped3A : memref<!tpu.dma_semaphore, #tpu.memory_space<semaphore_mem>>) src(%dma_wait3A_9 : memref<512xi32, #tpu.memory_space<hbm>>) dst(%arg7 : memref<512xi32, #tpu.memory_space<vmem>>)
      tpu.yield
    }) : () -> ()
    "tpu.region"() ({
      %run_scoped3A = tpu.sem_alloc : memref<!tpu.dma_semaphore, #tpu.memory_space<semaphore_mem>>
      %dma_start3A = tpu.memref_slice %arg3[%mul3A_2] : memref<16384xi32, #tpu.memory_space<hbm>> -> memref<512xi32, #tpu.memory_space<hbm>>
      %dma_start3A_8 = tpu.memref_slice %arg3[%mul3A_2] : memref<16384xi32, #tpu.memory_space<hbm>> -> memref<512xi32, #tpu.memory_space<hbm>>
      tpu.enqueue_dma source(%dma_start3A_8 : memref<512xi32, #tpu.memory_space<hbm>>) target(%arg8 : memref<512xi32, #tpu.memory_space<vmem>>) target_semaphore(%run_scoped3A : memref<!tpu.dma_semaphore, #tpu.memory_space<semaphore_mem>>)
      %dma_wait3A = tpu.memref_slice %arg3[%mul3A_2] : memref<16384xi32, #tpu.memory_space<hbm>> -> memref<512xi32, #tpu.memory_space<hbm>>
      %dma_wait3A_9 = tpu.memref_slice %arg3[%mul3A_2] : memref<16384xi32, #tpu.memory_space<hbm>> -> memref<512xi32, #tpu.memory_space<hbm>>
      tpu.wait_dma2 semaphore(%run_scoped3A : memref<!tpu.dma_semaphore, #tpu.memory_space<semaphore_mem>>) src(%dma_wait3A_9 : memref<512xi32, #tpu.memory_space<hbm>>) dst(%arg8 : memref<512xi32, #tpu.memory_space<vmem>>)
      tpu.yield
    }) : () -> ()
    %iota3A = tpu.iota {dimensions = array<i32: 0>} : vector<16xi32>
    %scan3A = arith.constant 0 : i32
    %scan3A_3 = arith.constant 0 : i32
    %scan3A_4 = arith.constant 32 : i32
    %scan3A_5 = arith.addi %scan3A_3, %scan3A_4 : i32
    %scan3A_6 = arith.constant 1 : i32
    scf.for %scan3A_8 = %scan3A_3 to %scan3A_5 step %scan3A_6  : i32 {
      %mul3A_9 = arith.constant 16 : i32
      %mul3A_10 = arith.muli %scan3A_8, %mul3A_9 : i32
      %get3A = arith.index_cast %mul3A_10 : i32 to index
      %get3A_11 = tpu.vector_load %arg7[%get3A] {strides = array<i32>} : memref<512xi32, #tpu.memory_space<vmem>>, vector<16xi32>,
      %get3A_12 = arith.index_cast %mul3A_10 : i32 to index
      %get3A_13 = tpu.vector_load %arg8[%get3A_12] {strides = array<i32>} : memref<512xi32, #tpu.memory_space<vmem>>, vector<16xi32>,
      %shift_right_arithmetic3A = arith.constant 7 : i32
      %shift_right_arithmetic3A_14 = vector.broadcast %shift_right_arithmetic3A : i32 to vector<16xi32>
      %shift_right_arithmetic3A_15 = arith.shrsi %get3A_11, %shift_right_arithmetic3A_14 : vector<16xi32>
      %shift_left3A = arith.constant 7 : i32
      %shift_left3A_16 = vector.broadcast %shift_left3A : i32 to vector<16xi32>
      %shift_left3A_17 = arith.shli %shift_right_arithmetic3A_15, %shift_left3A_16 : vector<16xi32>
      %shift_right_arithmetic3A_18 = arith.constant 7 : i32
      %shift_right_arithmetic3A_19 = vector.broadcast %shift_right_arithmetic3A_18 : i32 to vector<16xi32>
      %shift_right_arithmetic3A_20 = arith.shrsi %get3A_13, %shift_right_arithmetic3A_19 : vector<16xi32>
      %shift_left3A_21 = arith.constant 7 : i32
      %shift_left3A_22 = vector.broadcast %shift_left3A_21 : i32 to vector<16xi32>
      %shift_left3A_23 = arith.shli %shift_right_arithmetic3A_20, %shift_left3A_22 : vector<16xi32>
      %and3A = arith.constant 7 : i32
      %and3A_24 = vector.broadcast %and3A : i32 to vector<16xi32>
      %and3A_25 = arith.andi %iota3A, %and3A_24 : vector<16xi32>
      %mul3A_26 = arith.constant 128 : i32
      %mul3A_27 = vector.broadcast %mul3A_26 : i32 to vector<16xi32>
      %mul3A_28 = arith.muli %and3A_25, %mul3A_27 : vector<16xi32>
      %and3A_29 = arith.constant 127 : i32
      %and3A_30 = vector.broadcast %and3A_29 : i32 to vector<16xi32>
      %and3A_31 = arith.andi %get3A_11, %and3A_30 : vector<16xi32>
      %add3A_32 = arith.addi %mul3A_28, %and3A_31 : vector<16xi32>
      %and3A_33 = arith.constant 7 : i32
      %and3A_34 = vector.broadcast %and3A_33 : i32 to vector<16xi32>
      %and3A_35 = arith.andi %iota3A, %and3A_34 : vector<16xi32>
      %mul3A_36 = arith.constant 128 : i32
      %mul3A_37 = vector.broadcast %mul3A_36 : i32 to vector<16xi32>
      %mul3A_38 = arith.muli %and3A_35, %mul3A_37 : vector<16xi32>
      %and3A_39 = arith.constant 127 : i32
      %and3A_40 = vector.broadcast %and3A_39 : i32 to vector<16xi32>
      %and3A_41 = arith.andi %get3A_13, %and3A_40 : vector<16xi32>
      %add3A_42 = arith.addi %mul3A_38, %and3A_41 : vector<16xi32>
      %slice3A = vector.extract_strided_slice %shift_left3A_17 {offsets = [0], sizes = [1], strides = [1]} : vector<16xi32> to vector<1xi32>
      %squeeze3A = vector.extract %slice3A[0] : i32 from vector<1xi32>
      %multiple_of3A = tpu.assume_multiple %squeeze3A, 128 : i32
      %slice3A_43 = vector.extract_strided_slice %shift_left3A_23 {offsets = [0], sizes = [1], strides = [1]} : vector<16xi32> to vector<1xi32>
      %squeeze3A_44 = vector.extract %slice3A_43[0] : i32 from vector<1xi32>
      %multiple_of3A_45 = tpu.assume_multiple %squeeze3A_44, 128 : i32
      %dma_start3A = arith.constant 0 : i32
      %dma_start3A_46 = arith.constant 0 : i32
      %dma_start3A_47 = tpu.memref_slice %arg9[%dma_start3A, %dma_start3A_46] : memref<32x1024xf32, #tpu.memory_space<vmem>> -> memref<32x128xf32, #tpu.memory_space<vmem>>
      %dma_start3A_48 = arith.constant 0 : i32
      %dma_start3A_49 = tpu.memref_slice %arg4[%dma_start3A_48, %multiple_of3A] : memref<32x1000000xf32, #tpu.memory_space<hbm>> -> memref<32x128xf32, #tpu.memory_space<hbm>>
      %dma_start3A_50 = arith.constant 0 : i32
      %dma_start3A_51 = arith.constant 0 : i32
      %dma_start3A_52 = tpu.memref_slice %arg9[%dma_start3A_50, %dma_start3A_51] : memref<32x1024xf32, #tpu.memory_space<vmem>> -> memref<32x128xf32, #tpu.memory_space<vmem>>
      %dma_start3A_53 = arith.constant 0 : i32
      %dma_start3A_54 = tpu.memref_slice %arg4[%dma_start3A_53, %multiple_of3A] : memref<32x1000000xf32, #tpu.memory_space<hbm>> -> memref<32x128xf32, #tpu.memory_space<hbm>>
      tpu.enqueue_dma source(%dma_start3A_54 : memref<32x128xf32, #tpu.memory_space<hbm>>) target(%dma_start3A_52 : memref<32x128xf32, #tpu.memory_space<vmem>>) target_semaphore(%arg13 : memref<!tpu.dma_semaphore, #tpu.memory_space<semaphore_mem>>)
      %dma_start3A_55 = arith.constant 0 : i32
      %dma_start3A_56 = arith.constant 0 : i32
      %dma_start3A_57 = tpu.memref_slice %arg10[%dma_start3A_55, %dma_start3A_56] : memref<32x1024xf32, #tpu.memory_space<vmem>> -> memref<32x128xf32, #tpu.memory_space<vmem>>
      %dma_start3A_58 = arith.constant 0 : i32
      %dma_start3A_59 = tpu.memref_slice %arg5[%dma_start3A_58, %multiple_of3A_45] : memref<32x1000000xf32, #tpu.memory_space<hbm>> -> memref<32x128xf32, #tpu.memory_space<hbm>>
      %dma_start3A_60 = arith.constant 0 : i32
      %dma_start3A_61 = arith.constant 0 : i32
      %dma_start3A_62 = tpu.memref_slice %arg10[%dma_start3A_60, %dma_start3A_61] : memref<32x1024xf32, #tpu.memory_space<vmem>> -> memref<32x128xf32, #tpu.memory_space<vmem>>
      %dma_start3A_63 = arith.constant 0 : i32
      %dma_start3A_64 = tpu.memref_slice %arg5[%dma_start3A_63, %multiple_of3A_45] : memref<32x1000000xf32, #tpu.memory_space<hbm>> -> memref<32x128xf32, #tpu.memory_space<hbm>>
      tpu.enqueue_dma source(%dma_start3A_64 : memref<32x128xf32, #tpu.memory_space<hbm>>) target(%dma_start3A_62 : memref<32x128xf32, #tpu.memory_space<vmem>>) target_semaphore(%arg14 : memref<!tpu.dma_semaphore, #tpu.memory_space<semaphore_mem>>)
      %slice3A_65 = vector.extract_strided_slice %shift_left3A_17 {offsets = [1], sizes = [1], strides = [1]} : vector<16xi32> to vector<1xi32>
      %squeeze3A_66 = vector.extract %slice3A_65[0] : i32 from vector<1xi32>
      %multiple_of3A_67 = tpu.assume_multiple %squeeze3A_66, 128 : i32
      %slice3A_68 = vector.extract_strided_slice %shift_left3A_23 {offsets = [1], sizes = [1], strides = [1]} : vector<16xi32> to vector<1xi32>
      %squeeze3A_69 = vector.extract %slice3A_68[0] : i32 from vector<1xi32>
      %multiple_of3A_70 = tpu.assume_multiple %squeeze3A_69, 128 : i32
      %dma_start3A_71 = arith.constant 0 : i32
      %dma_start3A_72 = arith.constant 128 : i32
      %dma_start3A_73 = tpu.memref_slice %arg9[%dma_start3A_71, %dma_start3A_72] : memref<32x1024xf32, #tpu.memory_space<vmem>> -> memref<32x128xf32, #tpu.memory_space<vmem>>
      %dma_start3A_74 = arith.constant 0 : i32
      %dma_start3A_75 = tpu.memref_slice %arg4[%dma_start3A_74, %multiple_of3A_67] : memref<32x1000000xf32, #tpu.memory_space<hbm>> -> memref<32x128xf32, #tpu.memory_space<hbm>>
      %dma_start3A_76 = arith.constant 0 : i32
      %dma_start3A_77 = arith.constant 128 : i32
      %dma_start3A_78 = tpu.memref_slice %arg9[%dma_start3A_76, %dma_start3A_77] : memref<32x1024xf32, #tpu.memory_space<vmem>> -> memref<32x128xf32, #tpu.memory_space<vmem>>
      %dma_start3A_79 = arith.constant 0 : i32
      %dma_start3A_80 = tpu.memref_slice %arg4[%dma_start3A_79, %multiple_of3A_67] : memref<32x1000000xf32, #tpu.memory_space<hbm>> -> memref<32x128xf32, #tpu.memory_space<hbm>>
      tpu.enqueue_dma source(%dma_start3A_80 : memref<32x128xf32, #tpu.memory_space<hbm>>) target(%dma_start3A_78 : memref<32x128xf32, #tpu.memory_space<vmem>>) target_semaphore(%arg13 : memref<!tpu.dma_semaphore, #tpu.memory_space<semaphore_mem>>)
      %dma_start3A_81 = arith.constant 0 : i32
      %dma_start3A_82 = arith.constant 128 : i32
      %dma_start3A_83 = tpu.memref_slice %arg10[%dma_start3A_81, %dma_start3A_82] : memref<32x1024xf32, #tpu.memory_space<vmem>> -> memref<32x128xf32, #tpu.memory_space<vmem>>
      %dma_start3A_84 = arith.constant 0 : i32
      %dma_start3A_85 = tpu.memref_slice %arg5[%dma_start3A_84, %multiple_of3A_70] : memref<32x1000000xf32, #tpu.memory_space<hbm>> -> memref<32x128xf32, #tpu.memory_space<hbm>>
      %dma_start3A_86 = arith.constant 0 : i32
      %dma_start3A_87 = arith.constant 128 : i32
      %dma_start3A_88 = tpu.memref_slice %arg10[%dma_start3A_86, %dma_start3A_87] : memref<32x1024xf32, #tpu.memory_space<vmem>> -> memref<32x128xf32, #tpu.memory_space<vmem>>
      %dma_start3A_89 = arith.constant 0 : i32
      %dma_start3A_90 = tpu.memref_slice %arg5[%dma_start3A_89, %multiple_of3A_70] : memref<32x1000000xf32, #tpu.memory_space<hbm>> -> memref<32x128xf32, #tpu.memory_space<hbm>>
      tpu.enqueue_dma source(%dma_start3A_90 : memref<32x128xf32, #tpu.memory_space<hbm>>) target(%dma_start3A_88 : memref<32x128xf32, #tpu.memory_space<vmem>>) target_semaphore(%arg14 : memref<!tpu.dma_semaphore, #tpu.memory_space<semaphore_mem>>)
      %slice3A_91 = vector.extract_strided_slice %shift_left3A_17 {offsets = [2], sizes = [1], strides = [1]} : vector<16xi32> to vector<1xi32>
      %squeeze3A_92 = vector.extract %slice3A_91[0] : i32 from vector<1xi32>
      %multiple_of3A_93 = tpu.assume_multiple %squeeze3A_92, 128 : i32
      %slice3A_94 = vector.extract_strided_slice %shift_left3A_23 {offsets = [2], sizes = [1], strides = [1]} : vector<16xi32> to vector<1xi32>
      %squeeze3A_95 = vector.extract %slice3A_94[0] : i32 from vector<1xi32>
      %multiple_of3A_96 = tpu.assume_multiple %squeeze3A_95, 128 : i32
      %dma_start3A_97 = arith.constant 0 : i32
      %dma_start3A_98 = arith.constant 256 : i32
      %dma_start3A_99 = tpu.memref_slice %arg9[%dma_start3A_97, %dma_start3A_98] : memref<32x1024xf32, #tpu.memory_space<vmem>> -> memref<32x128xf32, #tpu.memory_space<vmem>>
      %dma_start3A_100 = arith.constant 0 : i32
      %dma_start3A_101 = tpu.memref_slice %arg4[%dma_start3A_100, %multiple_of3A_93] : memref<32x1000000xf32, #tpu.memory_space<hbm>> -> memref<32x128xf32, #tpu.memory_space<hbm>>
      %dma_start3A_102 = arith.constant 0 : i32
      %dma_start3A_103 = arith.constant 256 : i32
      %dma_start3A_104 = tpu.memref_slice %arg9[%dma_start3A_102, %dma_start3A_103] : memref<32x1024xf32, #tpu.memory_space<vmem>> -> memref<32x128xf32, #tpu.memory_space<vmem>>
      %dma_start3A_105 = arith.constant 0 : i32
      %dma_start3A_106 = tpu.memref_slice %arg4[%dma_start3A_105, %multiple_of3A_93] : memref<32x1000000xf32, #tpu.memory_space<hbm>> -> memref<32x128xf32, #tpu.memory_space<hbm>>
      tpu.enqueue_dma source(%dma_start3A_106 : memref<32x128xf32, #tpu.memory_space<hbm>>) target(%dma_start3A_104 : memref<32x128xf32, #tpu.memory_space<vmem>>) target_semaphore(%arg13 : memref<!tpu.dma_semaphore, #tpu.memory_space<semaphore_mem>>)
      %dma_start3A_107 = arith.constant 0 : i32
      %dma_start3A_108 = arith.constant 256 : i32
      %dma_start3A_109 = tpu.memref_slice %arg10[%dma_start3A_107, %dma_start3A_108] : memref<32x1024xf32, #tpu.memory_space<vmem>> -> memref<32x128xf32, #tpu.memory_space<vmem>>
      %dma_start3A_110 = arith.constant 0 : i32
      %dma_start3A_111 = tpu.memref_slice %arg5[%dma_start3A_110, %multiple_of3A_96] : memref<32x1000000xf32, #tpu.memory_space<hbm>> -> memref<32x128xf32, #tpu.memory_space<hbm>>
      %dma_start3A_112 = arith.constant 0 : i32
      %dma_start3A_113 = arith.constant 256 : i32
      %dma_start3A_114 = tpu.memref_slice %arg10[%dma_start3A_112, %dma_start3A_113] : memref<32x1024xf32, #tpu.memory_space<vmem>> -> memref<32x128xf32, #tpu.memory_space<vmem>>
      %dma_start3A_115 = arith.constant 0 : i32
      %dma_start3A_116 = tpu.memref_slice %arg5[%dma_start3A_115, %multiple_of3A_96] : memref<32x1000000xf32, #tpu.memory_space<hbm>> -> memref<32x128xf32, #tpu.memory_space<hbm>>
      tpu.enqueue_dma source(%dma_start3A_116 : memref<32x128xf32, #tpu.memory_space<hbm>>) target(%dma_start3A_114 : memref<32x128xf32, #tpu.memory_space<vmem>>) target_semaphore(%arg14 : memref<!tpu.dma_semaphore, #tpu.memory_space<semaphore_mem>>)
      %slice3A_117 = vector.extract_strided_slice %shift_left3A_17 {offsets = [3], sizes = [1], strides = [1]} : vector<16xi32> to vector<1xi32>
      %squeeze3A_118 = vector.extract %slice3A_117[0] : i32 from vector<1xi32>
      %multiple_of3A_119 = tpu.assume_multiple %squeeze3A_118, 128 : i32
      %slice3A_120 = vector.extract_strided_slice %shift_left3A_23 {offsets = [3], sizes = [1], strides = [1]} : vector<16xi32> to vector<1xi32>
      %squeeze3A_121 = vector.extract %slice3A_120[0] : i32 from vector<1xi32>
      %multiple_of3A_122 = tpu.assume_multiple %squeeze3A_121, 128 : i32
      %dma_start3A_123 = arith.constant 0 : i32
      %dma_start3A_124 = arith.constant 384 : i32
      %dma_start3A_125 = tpu.memref_slice %arg9[%dma_start3A_123, %dma_start3A_124] : memref<32x1024xf32, #tpu.memory_space<vmem>> -> memref<32x128xf32, #tpu.memory_space<vmem>>
      %dma_start3A_126 = arith.constant 0 : i32
      %dma_start3A_127 = tpu.memref_slice %arg4[%dma_start3A_126, %multiple_of3A_119] : memref<32x1000000xf32, #tpu.memory_space<hbm>> -> memref<32x128xf32, #tpu.memory_space<hbm>>
      %dma_start3A_128 = arith.constant 0 : i32
      %dma_start3A_129 = arith.constant 384 : i32
      %dma_start3A_130 = tpu.memref_slice %arg9[%dma_start3A_128, %dma_start3A_129] : memref<32x1024xf32, #tpu.memory_space<vmem>> -> memref<32x128xf32, #tpu.memory_space<vmem>>
      %dma_start3A_131 = arith.constant 0 : i32
      %dma_start3A_132 = tpu.memref_slice %arg4[%dma_start3A_131, %multiple_of3A_119] : memref<32x1000000xf32, #tpu.memory_space<hbm>> -> memref<32x128xf32, #tpu.memory_space<hbm>>
      tpu.enqueue_dma source(%dma_start3A_132 : memref<32x128xf32, #tpu.memory_space<hbm>>) target(%dma_start3A_130 : memref<32x128xf32, #tpu.memory_space<vmem>>) target_semaphore(%arg13 : memref<!tpu.dma_semaphore, #tpu.memory_space<semaphore_mem>>)
      %dma_start3A_133 = arith.constant 0 : i32
      %dma_start3A_134 = arith.constant 384 : i32
      %dma_start3A_135 = tpu.memref_slice %arg10[%dma_start3A_133, %dma_start3A_134] : memref<32x1024xf32, #tpu.memory_space<vmem>> -> memref<32x128xf32, #tpu.memory_space<vmem>>
      %dma_start3A_136 = arith.constant 0 : i32
      %dma_start3A_137 = tpu.memref_slice %arg5[%dma_start3A_136, %multiple_of3A_122] : memref<32x1000000xf32, #tpu.memory_space<hbm>> -> memref<32x128xf32, #tpu.memory_space<hbm>>
      %dma_start3A_138 = arith.constant 0 : i32
      %dma_start3A_139 = arith.constant 384 : i32
      %dma_start3A_140 = tpu.memref_slice %arg10[%dma_start3A_138, %dma_start3A_139] : memref<32x1024xf32, #tpu.memory_space<vmem>> -> memref<32x128xf32, #tpu.memory_space<vmem>>
      %dma_start3A_141 = arith.constant 0 : i32
      %dma_start3A_142 = tpu.memref_slice %arg5[%dma_start3A_141, %multiple_of3A_122] : memref<32x1000000xf32, #tpu.memory_space<hbm>> -> memref<32x128xf32, #tpu.memory_space<hbm>>
      tpu.enqueue_dma source(%dma_start3A_142 : memref<32x128xf32, #tpu.memory_space<hbm>>) target(%dma_start3A_140 : memref<32x128xf32, #tpu.memory_space<vmem>>) target_semaphore(%arg14 : memref<!tpu.dma_semaphore, #tpu.memory_space<semaphore_mem>>)
      %slice3A_143 = vector.extract_strided_slice %shift_left3A_17 {offsets = [4], sizes = [1], strides = [1]} : vector<16xi32> to vector<1xi32>
      %squeeze3A_144 = vector.extract %slice3A_143[0] : i32 from vector<1xi32>
      %multiple_of3A_145 = tpu.assume_multiple %squeeze3A_144, 128 : i32
      %slice3A_146 = vector.extract_strided_slice %shift_left3A_23 {offsets = [4], sizes = [1], strides = [1]} : vector<16xi32> to vector<1xi32>
      %squeeze3A_147 = vector.extract %slice3A_146[0] : i32 from vector<1xi32>
      %multiple_of3A_148 = tpu.assume_multiple %squeeze3A_147, 128 : i32
      %dma_start3A_149 = arith.constant 0 : i32
      %dma_start3A_150 = arith.constant 512 : i32
      %dma_start3A_151 = tpu.memref_slice %arg9[%dma_start3A_149, %dma_start3A_150] : memref<32x1024xf32, #tpu.memory_space<vmem>> -> memref<32x128xf32, #tpu.memory_space<vmem>>
      %dma_start3A_152 = arith.constant 0 : i32
      %dma_start3A_153 = tpu.memref_slice %arg4[%dma_start3A_152, %multiple_of3A_145] : memref<32x1000000xf32, #tpu.memory_space<hbm>> -> memref<32x128xf32, #tpu.memory_space<hbm>>
      %dma_start3A_154 = arith.constant 0 : i32
      %dma_start3A_155 = arith.constant 512 : i32
      %dma_start3A_156 = tpu.memref_slice %arg9[%dma_start3A_154, %dma_start3A_155] : memref<32x1024xf32, #tpu.memory_space<vmem>> -> memref<32x128xf32, #tpu.memory_space<vmem>>
      %dma_start3A_157 = arith.constant 0 : i32
      %dma_start3A_158 = tpu.memref_slice %arg4[%dma_start3A_157, %multiple_of3A_145] : memref<32x1000000xf32, #tpu.memory_space<hbm>> -> memref<32x128xf32, #tpu.memory_space<hbm>>
      tpu.enqueue_dma source(%dma_start3A_158 : memref<32x128xf32, #tpu.memory_space<hbm>>) target(%dma_start3A_156 : memref<32x128xf32, #tpu.memory_space<vmem>>) target_semaphore(%arg13 : memref<!tpu.dma_semaphore, #tpu.memory_space<semaphore_mem>>)
      %dma_start3A_159 = arith.constant 0 : i32
      %dma_start3A_160 = arith.constant 512 : i32
      %dma_start3A_161 = tpu.memref_slice %arg10[%dma_start3A_159, %dma_start3A_160] : memref<32x1024xf32, #tpu.memory_space<vmem>> -> memref<32x128xf32, #tpu.memory_space<vmem>>
      %dma_start3A_162 = arith.constant 0 : i32
      %dma_start3A_163 = tpu.memref_slice %arg5[%dma_start3A_162, %multiple_of3A_148] : memref<32x1000000xf32, #tpu.memory_space<hbm>> -> memref<32x128xf32, #tpu.memory_space<hbm>>
      %dma_start3A_164 = arith.constant 0 : i32
      %dma_start3A_165 = arith.constant 512 : i32
      %dma_start3A_166 = tpu.memref_slice %arg10[%dma_start3A_164, %dma_start3A_165] : memref<32x1024xf32, #tpu.memory_space<vmem>> -> memref<32x128xf32, #tpu.memory_space<vmem>>
      %dma_start3A_167 = arith.constant 0 : i32
      %dma_start3A_168 = tpu.memref_slice %arg5[%dma_start3A_167, %multiple_of3A_148] : memref<32x1000000xf32, #tpu.memory_space<hbm>> -> memref<32x128xf32, #tpu.memory_space<hbm>>
      tpu.enqueue_dma source(%dma_start3A_168 : memref<32x128xf32, #tpu.memory_space<hbm>>) target(%dma_start3A_166 : memref<32x128xf32, #tpu.memory_space<vmem>>) target_semaphore(%arg14 : memref<!tpu.dma_semaphore, #tpu.memory_space<semaphore_mem>>)
      %slice3A_169 = vector.extract_strided_slice %shift_left3A_17 {offsets = [5], sizes = [1], strides = [1]} : vector<16xi32> to vector<1xi32>
      %squeeze3A_170 = vector.extract %slice3A_169[0] : i32 from vector<1xi32>
      %multiple_of3A_171 = tpu.assume_multiple %squeeze3A_170, 128 : i32
      %slice3A_172 = vector.extract_strided_slice %shift_left3A_23 {offsets = [5], sizes = [1], strides = [1]} : vector<16xi32> to vector<1xi32>
      %squeeze3A_173 = vector.extract %slice3A_172[0] : i32 from vector<1xi32>
      %multiple_of3A_174 = tpu.assume_multiple %squeeze3A_173, 128 : i32
      %dma_start3A_175 = arith.constant 0 : i32
      %dma_start3A_176 = arith.constant 640 : i32
      %dma_start3A_177 = tpu.memref_slice %arg9[%dma_start3A_175, %dma_start3A_176] : memref<32x1024xf32, #tpu.memory_space<vmem>> -> memref<32x128xf32, #tpu.memory_space<vmem>>
      %dma_start3A_178 = arith.constant 0 : i32
      %dma_start3A_179 = tpu.memref_slice %arg4[%dma_start3A_178, %multiple_of3A_171] : memref<32x1000000xf32, #tpu.memory_space<hbm>> -> memref<32x128xf32, #tpu.memory_space<hbm>>
      %dma_start3A_180 = arith.constant 0 : i32
      %dma_start3A_181 = arith.constant 640 : i32
      %dma_start3A_182 = tpu.memref_slice %arg9[%dma_start3A_180, %dma_start3A_181] : memref<32x1024xf32, #tpu.memory_space<vmem>> -> memref<32x128xf32, #tpu.memory_space<vmem>>
      %dma_start3A_183 = arith.constant 0 : i32
      %dma_start3A_184 = tpu.memref_slice %arg4[%dma_start3A_183, %multiple_of3A_171] : memref<32x1000000xf32, #tpu.memory_space<hbm>> -> memref<32x128xf32, #tpu.memory_space<hbm>>
      tpu.enqueue_dma source(%dma_start3A_184 : memref<32x128xf32, #tpu.memory_space<hbm>>) target(%dma_start3A_182 : memref<32x128xf32, #tpu.memory_space<vmem>>) target_semaphore(%arg13 : memref<!tpu.dma_semaphore, #tpu.memory_space<semaphore_mem>>)
      %dma_start3A_185 = arith.constant 0 : i32
      %dma_start3A_186 = arith.constant 640 : i32
      %dma_start3A_187 = tpu.memref_slice %arg10[%dma_start3A_185, %dma_start3A_186] : memref<32x1024xf32, #tpu.memory_space<vmem>> -> memref<32x128xf32, #tpu.memory_space<vmem>>
      %dma_start3A_188 = arith.constant 0 : i32
      %dma_start3A_189 = tpu.memref_slice %arg5[%dma_start3A_188, %multiple_of3A_174] : memref<32x1000000xf32, #tpu.memory_space<hbm>> -> memref<32x128xf32, #tpu.memory_space<hbm>>
      %dma_start3A_190 = arith.constant 0 : i32
      %dma_start3A_191 = arith.constant 640 : i32
      %dma_start3A_192 = tpu.memref_slice %arg10[%dma_start3A_190, %dma_start3A_191] : memref<32x1024xf32, #tpu.memory_space<vmem>> -> memref<32x128xf32, #tpu.memory_space<vmem>>
      %dma_start3A_193 = arith.constant 0 : i32
      %dma_start3A_194 = tpu.memref_slice %arg5[%dma_start3A_193, %multiple_of3A_174] : memref<32x1000000xf32, #tpu.memory_space<hbm>> -> memref<32x128xf32, #tpu.memory_space<hbm>>
      tpu.enqueue_dma source(%dma_start3A_194 : memref<32x128xf32, #tpu.memory_space<hbm>>) target(%dma_start3A_192 : memref<32x128xf32, #tpu.memory_space<vmem>>) target_semaphore(%arg14 : memref<!tpu.dma_semaphore, #tpu.memory_space<semaphore_mem>>)
      %slice3A_195 = vector.extract_strided_slice %shift_left3A_17 {offsets = [6], sizes = [1], strides = [1]} : vector<16xi32> to vector<1xi32>
      %squeeze3A_196 = vector.extract %slice3A_195[0] : i32 from vector<1xi32>
      %multiple_of3A_197 = tpu.assume_multiple %squeeze3A_196, 128 : i32
      %slice3A_198 = vector.extract_strided_slice %shift_left3A_23 {offsets = [6], sizes = [1], strides = [1]} : vector<16xi32> to vector<1xi32>
      %squeeze3A_199 = vector.extract %slice3A_198[0] : i32 from vector<1xi32>
      %multiple_of3A_200 = tpu.assume_multiple %squeeze3A_199, 128 : i32
      %dma_start3A_201 = arith.constant 0 : i32
      %dma_start3A_202 = arith.constant 768 : i32
      %dma_start3A_203 = tpu.memref_slice %arg9[%dma_start3A_201, %dma_start3A_202] : memref<32x1024xf32, #tpu.memory_space<vmem>> -> memref<32x128xf32, #tpu.memory_space<vmem>>
      %dma_start3A_204 = arith.constant 0 : i32
      %dma_start3A_205 = tpu.memref_slice %arg4[%dma_start3A_204, %multiple_of3A_197] : memref<32x1000000xf32, #tpu.memory_space<hbm>> -> memref<32x128xf32, #tpu.memory_space<hbm>>
      %dma_start3A_206 = arith.constant 0 : i32
      %dma_start3A_207 = arith.constant 768 : i32
      %dma_start3A_208 = tpu.memref_slice %arg9[%dma_start3A_206, %dma_start3A_207] : memref<32x1024xf32, #tpu.memory_space<vmem>> -> memref<32x128xf32, #tpu.memory_space<vmem>>
      %dma_start3A_209 = arith.constant 0 : i32
      %dma_start3A_210 = tpu.memref_slice %arg4[%dma_start3A_209, %multiple_of3A_197] : memref<32x1000000xf32, #tpu.memory_space<hbm>> -> memref<32x128xf32, #tpu.memory_space<hbm>>
      tpu.enqueue_dma source(%dma_start3A_210 : memref<32x128xf32, #tpu.memory_space<hbm>>) target(%dma_start3A_208 : memref<32x128xf32, #tpu.memory_space<vmem>>) target_semaphore(%arg13 : memref<!tpu.dma_semaphore, #tpu.memory_space<semaphore_mem>>)
      %dma_start3A_211 = arith.constant 0 : i32
      %dma_start3A_212 = arith.constant 768 : i32
      %dma_start3A_213 = tpu.memref_slice %arg10[%dma_start3A_211, %dma_start3A_212] : memref<32x1024xf32, #tpu.memory_space<vmem>> -> memref<32x128xf32, #tpu.memory_space<vmem>>
      %dma_start3A_214 = arith.constant 0 : i32
      %dma_start3A_215 = tpu.memref_slice %arg5[%dma_start3A_214, %multiple_of3A_200] : memref<32x1000000xf32, #tpu.memory_space<hbm>> -> memref<32x128xf32, #tpu.memory_space<hbm>>
      %dma_start3A_216 = arith.constant 0 : i32
      %dma_start3A_217 = arith.constant 768 : i32
      %dma_start3A_218 = tpu.memref_slice %arg10[%dma_start3A_216, %dma_start3A_217] : memref<32x1024xf32, #tpu.memory_space<vmem>> -> memref<32x128xf32, #tpu.memory_space<vmem>>
      %dma_start3A_219 = arith.constant 0 : i32
      %dma_start3A_220 = tpu.memref_slice %arg5[%dma_start3A_219, %multiple_of3A_200] : memref<32x1000000xf32, #tpu.memory_space<hbm>> -> memref<32x128xf32, #tpu.memory_space<hbm>>
      tpu.enqueue_dma source(%dma_start3A_220 : memref<32x128xf32, #tpu.memory_space<hbm>>) target(%dma_start3A_218 : memref<32x128xf32, #tpu.memory_space<vmem>>) target_semaphore(%arg14 : memref<!tpu.dma_semaphore, #tpu.memory_space<semaphore_mem>>)
      %slice3A_221 = vector.extract_strided_slice %shift_left3A_17 {offsets = [7], sizes = [1], strides = [1]} : vector<16xi32> to vector<1xi32>
      %squeeze3A_222 = vector.extract %slice3A_221[0] : i32 from vector<1xi32>
      %multiple_of3A_223 = tpu.assume_multiple %squeeze3A_222, 128 : i32
      %slice3A_224 = vector.extract_strided_slice %shift_left3A_23 {offsets = [7], sizes = [1], strides = [1]} : vector<16xi32> to vector<1xi32>
      %squeeze3A_225 = vector.extract %slice3A_224[0] : i32 from vector<1xi32>
      %multiple_of3A_226 = tpu.assume_multiple %squeeze3A_225, 128 : i32
      %dma_start3A_227 = arith.constant 0 : i32
      %dma_start3A_228 = arith.constant 896 : i32
      %dma_start3A_229 = tpu.memref_slice %arg9[%dma_start3A_227, %dma_start3A_228] : memref<32x1024xf32, #tpu.memory_space<vmem>> -> memref<32x128xf32, #tpu.memory_space<vmem>>
      %dma_start3A_230 = arith.constant 0 : i32
      %dma_start3A_231 = tpu.memref_slice %arg4[%dma_start3A_230, %multiple_of3A_223] : memref<32x1000000xf32, #tpu.memory_space<hbm>> -> memref<32x128xf32, #tpu.memory_space<hbm>>
      %dma_start3A_232 = arith.constant 0 : i32
      %dma_start3A_233 = arith.constant 896 : i32
      %dma_start3A_234 = tpu.memref_slice %arg9[%dma_start3A_232, %dma_start3A_233] : memref<32x1024xf32, #tpu.memory_space<vmem>> -> memref<32x128xf32, #tpu.memory_space<vmem>>
      %dma_start3A_235 = arith.constant 0 : i32
      %dma_start3A_236 = tpu.memref_slice %arg4[%dma_start3A_235, %multiple_of3A_223] : memref<32x1000000xf32, #tpu.memory_space<hbm>> -> memref<32x128xf32, #tpu.memory_space<hbm>>
      tpu.enqueue_dma source(%dma_start3A_236 : memref<32x128xf32, #tpu.memory_space<hbm>>) target(%dma_start3A_234 : memref<32x128xf32, #tpu.memory_space<vmem>>) target_semaphore(%arg13 : memref<!tpu.dma_semaphore, #tpu.memory_space<semaphore_mem>>)
      %dma_start3A_237 = arith.constant 0 : i32
      %dma_start3A_238 = arith.constant 896 : i32
      %dma_start3A_239 = tpu.memref_slice %arg10[%dma_start3A_237, %dma_start3A_238] : memref<32x1024xf32, #tpu.memory_space<vmem>> -> memref<32x128xf32, #tpu.memory_space<vmem>>
      %dma_start3A_240 = arith.constant 0 : i32
      %dma_start3A_241 = tpu.memref_slice %arg5[%dma_start3A_240, %multiple_of3A_226] : memref<32x1000000xf32, #tpu.memory_space<hbm>> -> memref<32x128xf32, #tpu.memory_space<hbm>>
      %dma_start3A_242 = arith.constant 0 : i32
      %dma_start3A_243 = arith.constant 896 : i32
      %dma_start3A_244 = tpu.memref_slice %arg10[%dma_start3A_242, %dma_start3A_243] : memref<32x1024xf32, #tpu.memory_space<vmem>> -> memref<32x128xf32, #tpu.memory_space<vmem>>
      %dma_start3A_245 = arith.constant 0 : i32
      %dma_start3A_246 = tpu.memref_slice %arg5[%dma_start3A_245, %multiple_of3A_226] : memref<32x1000000xf32, #tpu.memory_space<hbm>> -> memref<32x128xf32, #tpu.memory_space<hbm>>
      tpu.enqueue_dma source(%dma_start3A_246 : memref<32x128xf32, #tpu.memory_space<hbm>>) target(%dma_start3A_244 : memref<32x128xf32, #tpu.memory_space<vmem>>) target_semaphore(%arg14 : memref<!tpu.dma_semaphore, #tpu.memory_space<semaphore_mem>>)
      %dma_wait3A = arith.constant 0 : i32
      %dma_wait3A_247 = arith.constant 0 : i32
      %dma_wait3A_248 = tpu.memref_slice %arg4[%dma_wait3A, %dma_wait3A_247] : memref<32x1000000xf32, #tpu.memory_space<hbm>> -> memref<32x1024xf32, #tpu.memory_space<hbm>>
      %dma_wait3A_249 = arith.constant 0 : i32
      %dma_wait3A_250 = arith.constant 0 : i32
      %dma_wait3A_251 = tpu.memref_slice %arg4[%dma_wait3A_249, %dma_wait3A_250] : memref<32x1000000xf32, #tpu.memory_space<hbm>> -> memref<32x1024xf32, #tpu.memory_space<hbm>>
      tpu.wait_dma2 semaphore(%arg13 : memref<!tpu.dma_semaphore, #tpu.memory_space<semaphore_mem>>) src(%dma_wait3A_251 : memref<32x1024xf32, #tpu.memory_space<hbm>>) dst(%arg9 : memref<32x1024xf32, #tpu.memory_space<vmem>>)
      %dma_wait3A_252 = arith.constant 0 : i32
      %dma_wait3A_253 = arith.constant 0 : i32
      %dma_wait3A_254 = tpu.memref_slice %arg5[%dma_wait3A_252, %dma_wait3A_253] : memref<32x1000000xf32, #tpu.memory_space<hbm>> -> memref<32x1024xf32, #tpu.memory_space<hbm>>
      %dma_wait3A_255 = arith.constant 0 : i32
      %dma_wait3A_256 = arith.constant 0 : i32
      %dma_wait3A_257 = tpu.memref_slice %arg5[%dma_wait3A_255, %dma_wait3A_256] : memref<32x1000000xf32, #tpu.memory_space<hbm>> -> memref<32x1024xf32, #tpu.memory_space<hbm>>
      tpu.wait_dma2 semaphore(%arg14 : memref<!tpu.dma_semaphore, #tpu.memory_space<semaphore_mem>>) src(%dma_wait3A_257 : memref<32x1024xf32, #tpu.memory_space<hbm>>) dst(%arg10 : memref<32x1024xf32, #tpu.memory_space<vmem>>)
      %slice3A_258 = vector.extract_strided_slice %add3A_32 {offsets = [0], sizes = [1], strides = [1]} : vector<16xi32> to vector<1xi32>
      %squeeze3A_259 = vector.extract %slice3A_258[0] : i32 from vector<1xi32>
      %broadcast_in_dim3A = vector.broadcast %squeeze3A_259 : i32 to vector<16xi32>
      %slice3A_260 = vector.extract_strided_slice %add3A_42 {offsets = [0], sizes = [1], strides = [1]} : vector<16xi32> to vector<1xi32>
      %squeeze3A_261 = vector.extract %slice3A_260[0] : i32 from vector<1xi32>
      %broadcast_in_dim3A_262 = vector.broadcast %squeeze3A_261 : i32 to vector<16xi32>
      %gather3A = tpu.vector_load_idx %arg9[%iota3A, %broadcast_in_dim3A] : memref<32x1024xf32, #tpu.memory_space<vmem>>[vector<16xi32>, vector<16xi32>], vector<16xf32>,
      %add3A_263 = arith.constant 16 : i32
      %add3A_264 = vector.broadcast %add3A_263 : i32 to vector<16xi32>
      %add3A_265 = arith.addi %iota3A, %add3A_264 : vector<16xi32>
      %gather3A_266 = tpu.vector_load_idx %arg9[%add3A_265, %broadcast_in_dim3A] : memref<32x1024xf32, #tpu.memory_space<vmem>>[vector<16xi32>, vector<16xi32>], vector<16xf32>,
      %gather3A_267 = tpu.vector_load_idx %arg10[%iota3A, %broadcast_in_dim3A_262] : memref<32x1024xf32, #tpu.memory_space<vmem>>[vector<16xi32>, vector<16xi32>], vector<16xf32>,
      %add3A_268 = arith.constant 16 : i32
      %add3A_269 = vector.broadcast %add3A_268 : i32 to vector<16xi32>
      %add3A_270 = arith.addi %iota3A, %add3A_269 : vector<16xi32>
      %gather3A_271 = tpu.vector_load_idx %arg10[%add3A_270, %broadcast_in_dim3A_262] : memref<32x1024xf32, #tpu.memory_space<vmem>>[vector<16xi32>, vector<16xi32>], vector<16xf32>,
      %mul3A_272 = arith.mulf %gather3A, %gather3A_267 : vector<16xf32>
      %mul3A_273 = arith.mulf %gather3A_266, %gather3A_271 : vector<16xf32>
      %add3A_274 = arith.addf %mul3A_272, %mul3A_273 : vector<16xf32>
      %swap3A = arith.constant 0 : index
      %swap3A_275 = tpu.vector_load %arg11[%swap3A] {strides = array<i32>} : memref<256xf32, #tpu.memory_space<vmem>>, vector<16xf32>,
      tpu.vector_store %arg11[%swap3A], %add3A_274 {strides = array<i32>} : memref<256xf32, #tpu.memory_space<vmem>>, vector<16xf32>,
      %slice3A_276 = vector.extract_strided_slice %add3A_32 {offsets = [1], sizes = [1], strides = [1]} : vector<16xi32> to vector<1xi32>
      %squeeze3A_277 = vector.extract %slice3A_276[0] : i32 from vector<1xi32>
      %broadcast_in_dim3A_278 = vector.broadcast %squeeze3A_277 : i32 to vector<16xi32>
      %slice3A_279 = vector.extract_strided_slice %add3A_42 {offsets = [1], sizes = [1], strides = [1]} : vector<16xi32> to vector<1xi32>
      %squeeze3A_280 = vector.extract %slice3A_279[0] : i32 from vector<1xi32>
      %broadcast_in_dim3A_281 = vector.broadcast %squeeze3A_280 : i32 to vector<16xi32>
      %gather3A_282 = tpu.vector_load_idx %arg9[%iota3A, %broadcast_in_dim3A_278] : memref<32x1024xf32, #tpu.memory_space<vmem>>[vector<16xi32>, vector<16xi32>], vector<16xf32>,
      %add3A_283 = arith.constant 16 : i32
      %add3A_284 = vector.broadcast %add3A_283 : i32 to vector<16xi32>
      %add3A_285 = arith.addi %iota3A, %add3A_284 : vector<16xi32>
      %gather3A_286 = tpu.vector_load_idx %arg9[%add3A_285, %broadcast_in_dim3A_278] : memref<32x1024xf32, #tpu.memory_space<vmem>>[vector<16xi32>, vector<16xi32>], vector<16xf32>,
      %gather3A_287 = tpu.vector_load_idx %arg10[%iota3A, %broadcast_in_dim3A_281] : memref<32x1024xf32, #tpu.memory_space<vmem>>[vector<16xi32>, vector<16xi32>], vector<16xf32>,
      %add3A_288 = arith.constant 16 : i32
      %add3A_289 = vector.broadcast %add3A_288 : i32 to vector<16xi32>
      %add3A_290 = arith.addi %iota3A, %add3A_289 : vector<16xi32>
      %gather3A_291 = tpu.vector_load_idx %arg10[%add3A_290, %broadcast_in_dim3A_281] : memref<32x1024xf32, #tpu.memory_space<vmem>>[vector<16xi32>, vector<16xi32>], vector<16xf32>,
      %mul3A_292 = arith.mulf %gather3A_282, %gather3A_287 : vector<16xf32>
      %mul3A_293 = arith.mulf %gather3A_286, %gather3A_291 : vector<16xf32>
      %add3A_294 = arith.addf %mul3A_292, %mul3A_293 : vector<16xf32>
      %swap3A_295 = arith.constant 16 : index
      %swap3A_296 = tpu.vector_load %arg11[%swap3A_295] {strides = array<i32>} : memref<256xf32, #tpu.memory_space<vmem>>, vector<16xf32>,
      tpu.vector_store %arg11[%swap3A_295], %add3A_294 {strides = array<i32>} : memref<256xf32, #tpu.memory_space<vmem>>, vector<16xf32>,
      %slice3A_297 = vector.extract_strided_slice %add3A_32 {offsets = [2], sizes = [1], strides = [1]} : vector<16xi32> to vector<1xi32>
      %squeeze3A_298 = vector.extract %slice3A_297[0] : i32 from vector<1xi32>
      %broadcast_in_dim3A_299 = vector.broadcast %squeeze3A_298 : i32 to vector<16xi32>
      %slice3A_300 = vector.extract_strided_slice %add3A_42 {offsets = [2], sizes = [1], strides = [1]} : vector<16xi32> to vector<1xi32>
      %squeeze3A_301 = vector.extract %slice3A_300[0] : i32 from vector<1xi32>
      %broadcast_in_dim3A_302 = vector.broadcast %squeeze3A_301 : i32 to vector<16xi32>
      %gather3A_303 = tpu.vector_load_idx %arg9[%iota3A, %broadcast_in_dim3A_299] : memref<32x1024xf32, #tpu.memory_space<vmem>>[vector<16xi32>, vector<16xi32>], vector<16xf32>,
      %add3A_304 = arith.constant 16 : i32
      %add3A_305 = vector.broadcast %add3A_304 : i32 to vector<16xi32>
      %add3A_306 = arith.addi %iota3A, %add3A_305 : vector<16xi32>
      %gather3A_307 = tpu.vector_load_idx %arg9[%add3A_306, %broadcast_in_dim3A_299] : memref<32x1024xf32, #tpu.memory_space<vmem>>[vector<16xi32>, vector<16xi32>], vector<16xf32>,
      %gather3A_308 = tpu.vector_load_idx %arg10[%iota3A, %broadcast_in_dim3A_302] : memref<32x1024xf32, #tpu.memory_space<vmem>>[vector<16xi32>, vector<16xi32>], vector<16xf32>,
      %add3A_309 = arith.constant 16 : i32
      %add3A_310 = vector.broadcast %add3A_309 : i32 to vector<16xi32>
      %add3A_311 = arith.addi %iota3A, %add3A_310 : vector<16xi32>
      %gather3A_312 = tpu.vector_load_idx %arg10[%add3A_311, %broadcast_in_dim3A_302] : memref<32x1024xf32, #tpu.memory_space<vmem>>[vector<16xi32>, vector<16xi32>], vector<16xf32>,
      %mul3A_313 = arith.mulf %gather3A_303, %gather3A_308 : vector<16xf32>
      %mul3A_314 = arith.mulf %gather3A_307, %gather3A_312 : vector<16xf32>
      %add3A_315 = arith.addf %mul3A_313, %mul3A_314 : vector<16xf32>
      %swap3A_316 = arith.constant 32 : index
      %swap3A_317 = tpu.vector_load %arg11[%swap3A_316] {strides = array<i32>} : memref<256xf32, #tpu.memory_space<vmem>>, vector<16xf32>,
      tpu.vector_store %arg11[%swap3A_316], %add3A_315 {strides = array<i32>} : memref<256xf32, #tpu.memory_space<vmem>>, vector<16xf32>,
      %slice3A_318 = vector.extract_strided_slice %add3A_32 {offsets = [3], sizes = [1], strides = [1]} : vector<16xi32> to vector<1xi32>
      %squeeze3A_319 = vector.extract %slice3A_318[0] : i32 from vector<1xi32>
      %broadcast_in_dim3A_320 = vector.broadcast %squeeze3A_319 : i32 to vector<16xi32>
      %slice3A_321 = vector.extract_strided_slice %add3A_42 {offsets = [3], sizes = [1], strides = [1]} : vector<16xi32> to vector<1xi32>
      %squeeze3A_322 = vector.extract %slice3A_321[0] : i32 from vector<1xi32>
      %broadcast_in_dim3A_323 = vector.broadcast %squeeze3A_322 : i32 to vector<16xi32>
      %gather3A_324 = tpu.vector_load_idx %arg9[%iota3A, %broadcast_in_dim3A_320] : memref<32x1024xf32, #tpu.memory_space<vmem>>[vector<16xi32>, vector<16xi32>], vector<16xf32>,
      %add3A_325 = arith.constant 16 : i32
      %add3A_326 = vector.broadcast %add3A_325 : i32 to vector<16xi32>
      %add3A_327 = arith.addi %iota3A, %add3A_326 : vector<16xi32>
      %gather3A_328 = tpu.vector_load_idx %arg9[%add3A_327, %broadcast_in_dim3A_320] : memref<32x1024xf32, #tpu.memory_space<vmem>>[vector<16xi32>, vector<16xi32>], vector<16xf32>,
      %gather3A_329 = tpu.vector_load_idx %arg10[%iota3A, %broadcast_in_dim3A_323] : memref<32x1024xf32, #tpu.memory_space<vmem>>[vector<16xi32>, vector<16xi32>], vector<16xf32>,
      %add3A_330 = arith.constant 16 : i32
      %add3A_331 = vector.broadcast %add3A_330 : i32 to vector<16xi32>
      %add3A_332 = arith.addi %iota3A, %add3A_331 : vector<16xi32>
      %gather3A_333 = tpu.vector_load_idx %arg10[%add3A_332, %broadcast_in_dim3A_323] : memref<32x1024xf32, #tpu.memory_space<vmem>>[vector<16xi32>, vector<16xi32>], vector<16xf32>,
      %mul3A_334 = arith.mulf %gather3A_324, %gather3A_329 : vector<16xf32>
      %mul3A_335 = arith.mulf %gather3A_328, %gather3A_333 : vector<16xf32>
      %add3A_336 = arith.addf %mul3A_334, %mul3A_335 : vector<16xf32>
      %swap3A_337 = arith.constant 48 : index
      %swap3A_338 = tpu.vector_load %arg11[%swap3A_337] {strides = array<i32>} : memref<256xf32, #tpu.memory_space<vmem>>, vector<16xf32>,
      tpu.vector_store %arg11[%swap3A_337], %add3A_336 {strides = array<i32>} : memref<256xf32, #tpu.memory_space<vmem>>, vector<16xf32>,
      %slice3A_339 = vector.extract_strided_slice %add3A_32 {offsets = [4], sizes = [1], strides = [1]} : vector<16xi32> to vector<1xi32>
      %squeeze3A_340 = vector.extract %slice3A_339[0] : i32 from vector<1xi32>
      %broadcast_in_dim3A_341 = vector.broadcast %squeeze3A_340 : i32 to vector<16xi32>
      %slice3A_342 = vector.extract_strided_slice %add3A_42 {offsets = [4], sizes = [1], strides = [1]} : vector<16xi32> to vector<1xi32>
      %squeeze3A_343 = vector.extract %slice3A_342[0] : i32 from vector<1xi32>
      %broadcast_in_dim3A_344 = vector.broadcast %squeeze3A_343 : i32 to vector<16xi32>
      %gather3A_345 = tpu.vector_load_idx %arg9[%iota3A, %broadcast_in_dim3A_341] : memref<32x1024xf32, #tpu.memory_space<vmem>>[vector<16xi32>, vector<16xi32>], vector<16xf32>,
      %add3A_346 = arith.constant 16 : i32
      %add3A_347 = vector.broadcast %add3A_346 : i32 to vector<16xi32>
      %add3A_348 = arith.addi %iota3A, %add3A_347 : vector<16xi32>
      %gather3A_349 = tpu.vector_load_idx %arg9[%add3A_348, %broadcast_in_dim3A_341] : memref<32x1024xf32, #tpu.memory_space<vmem>>[vector<16xi32>, vector<16xi32>], vector<16xf32>,
      %gather3A_350 = tpu.vector_load_idx %arg10[%iota3A, %broadcast_in_dim3A_344] : memref<32x1024xf32, #tpu.memory_space<vmem>>[vector<16xi32>, vector<16xi32>], vector<16xf32>,
      %add3A_351 = arith.constant 16 : i32
      %add3A_352 = vector.broadcast %add3A_351 : i32 to vector<16xi32>
      %add3A_353 = arith.addi %iota3A, %add3A_352 : vector<16xi32>
      %gather3A_354 = tpu.vector_load_idx %arg10[%add3A_353, %broadcast_in_dim3A_344] : memref<32x1024xf32, #tpu.memory_space<vmem>>[vector<16xi32>, vector<16xi32>], vector<16xf32>,
      %mul3A_355 = arith.mulf %gather3A_345, %gather3A_350 : vector<16xf32>
      %mul3A_356 = arith.mulf %gather3A_349, %gather3A_354 : vector<16xf32>
      %add3A_357 = arith.addf %mul3A_355, %mul3A_356 : vector<16xf32>
      %swap3A_358 = arith.constant 64 : index
      %swap3A_359 = tpu.vector_load %arg11[%swap3A_358] {strides = array<i32>} : memref<256xf32, #tpu.memory_space<vmem>>, vector<16xf32>,
      tpu.vector_store %arg11[%swap3A_358], %add3A_357 {strides = array<i32>} : memref<256xf32, #tpu.memory_space<vmem>>, vector<16xf32>,
      %slice3A_360 = vector.extract_strided_slice %add3A_32 {offsets = [5], sizes = [1], strides = [1]} : vector<16xi32> to vector<1xi32>
      %squeeze3A_361 = vector.extract %slice3A_360[0] : i32 from vector<1xi32>
      %broadcast_in_dim3A_362 = vector.broadcast %squeeze3A_361 : i32 to vector<16xi32>
      %slice3A_363 = vector.extract_strided_slice %add3A_42 {offsets = [5], sizes = [1], strides = [1]} : vector<16xi32> to vector<1xi32>
      %squeeze3A_364 = vector.extract %slice3A_363[0] : i32 from vector<1xi32>
      %broadcast_in_dim3A_365 = vector.broadcast %squeeze3A_364 : i32 to vector<16xi32>
      %gather3A_366 = tpu.vector_load_idx %arg9[%iota3A, %broadcast_in_dim3A_362] : memref<32x1024xf32, #tpu.memory_space<vmem>>[vector<16xi32>, vector<16xi32>], vector<16xf32>,
      %add3A_367 = arith.constant 16 : i32
      %add3A_368 = vector.broadcast %add3A_367 : i32 to vector<16xi32>
      %add3A_369 = arith.addi %iota3A, %add3A_368 : vector<16xi32>
      %gather3A_370 = tpu.vector_load_idx %arg9[%add3A_369, %broadcast_in_dim3A_362] : memref<32x1024xf32, #tpu.memory_space<vmem>>[vector<16xi32>, vector<16xi32>], vector<16xf32>,
      %gather3A_371 = tpu.vector_load_idx %arg10[%iota3A, %broadcast_in_dim3A_365] : memref<32x1024xf32, #tpu.memory_space<vmem>>[vector<16xi32>, vector<16xi32>], vector<16xf32>,
      %add3A_372 = arith.constant 16 : i32
      %add3A_373 = vector.broadcast %add3A_372 : i32 to vector<16xi32>
      %add3A_374 = arith.addi %iota3A, %add3A_373 : vector<16xi32>
      %gather3A_375 = tpu.vector_load_idx %arg10[%add3A_374, %broadcast_in_dim3A_365] : memref<32x1024xf32, #tpu.memory_space<vmem>>[vector<16xi32>, vector<16xi32>], vector<16xf32>,
      %mul3A_376 = arith.mulf %gather3A_366, %gather3A_371 : vector<16xf32>
      %mul3A_377 = arith.mulf %gather3A_370, %gather3A_375 : vector<16xf32>
      %add3A_378 = arith.addf %mul3A_376, %mul3A_377 : vector<16xf32>
      %swap3A_379 = arith.constant 80 : index
      %swap3A_380 = tpu.vector_load %arg11[%swap3A_379] {strides = array<i32>} : memref<256xf32, #tpu.memory_space<vmem>>, vector<16xf32>,
      tpu.vector_store %arg11[%swap3A_379], %add3A_378 {strides = array<i32>} : memref<256xf32, #tpu.memory_space<vmem>>, vector<16xf32>,
      %slice3A_381 = vector.extract_strided_slice %add3A_32 {offsets = [6], sizes = [1], strides = [1]} : vector<16xi32> to vector<1xi32>
      %squeeze3A_382 = vector.extract %slice3A_381[0] : i32 from vector<1xi32>
      %broadcast_in_dim3A_383 = vector.broadcast %squeeze3A_382 : i32 to vector<16xi32>
      %slice3A_384 = vector.extract_strided_slice %add3A_42 {offsets = [6], sizes = [1], strides = [1]} : vector<16xi32> to vector<1xi32>
      %squeeze3A_385 = vector.extract %slice3A_384[0] : i32 from vector<1xi32>
      %broadcast_in_dim3A_386 = vector.broadcast %squeeze3A_385 : i32 to vector<16xi32>
      %gather3A_387 = tpu.vector_load_idx %arg9[%iota3A, %broadcast_in_dim3A_383] : memref<32x1024xf32, #tpu.memory_space<vmem>>[vector<16xi32>, vector<16xi32>], vector<16xf32>,
      %add3A_388 = arith.constant 16 : i32
      %add3A_389 = vector.broadcast %add3A_388 : i32 to vector<16xi32>
      %add3A_390 = arith.addi %iota3A, %add3A_389 : vector<16xi32>
      %gather3A_391 = tpu.vector_load_idx %arg9[%add3A_390, %broadcast_in_dim3A_383] : memref<32x1024xf32, #tpu.memory_space<vmem>>[vector<16xi32>, vector<16xi32>], vector<16xf32>,
      %gather3A_392 = tpu.vector_load_idx %arg10[%iota3A, %broadcast_in_dim3A_386] : memref<32x1024xf32, #tpu.memory_space<vmem>>[vector<16xi32>, vector<16xi32>], vector<16xf32>,
      %add3A_393 = arith.constant 16 : i32
      %add3A_394 = vector.broadcast %add3A_393 : i32 to vector<16xi32>
      %add3A_395 = arith.addi %iota3A, %add3A_394 : vector<16xi32>
      %gather3A_396 = tpu.vector_load_idx %arg10[%add3A_395, %broadcast_in_dim3A_386] : memref<32x1024xf32, #tpu.memory_space<vmem>>[vector<16xi32>, vector<16xi32>], vector<16xf32>,
      %mul3A_397 = arith.mulf %gather3A_387, %gather3A_392 : vector<16xf32>
      %mul3A_398 = arith.mulf %gather3A_391, %gather3A_396 : vector<16xf32>
      %add3A_399 = arith.addf %mul3A_397, %mul3A_398 : vector<16xf32>
      %swap3A_400 = arith.constant 96 : index
      %swap3A_401 = tpu.vector_load %arg11[%swap3A_400] {strides = array<i32>} : memref<256xf32, #tpu.memory_space<vmem>>, vector<16xf32>,
      tpu.vector_store %arg11[%swap3A_400], %add3A_399 {strides = array<i32>} : memref<256xf32, #tpu.memory_space<vmem>>, vector<16xf32>,
      %slice3A_402 = vector.extract_strided_slice %add3A_32 {offsets = [7], sizes = [1], strides = [1]} : vector<16xi32> to vector<1xi32>
      %squeeze3A_403 = vector.extract %slice3A_402[0] : i32 from vector<1xi32>
      %broadcast_in_dim3A_404 = vector.broadcast %squeeze3A_403 : i32 to vector<16xi32>
      %slice3A_405 = vector.extract_strided_slice %add3A_42 {offsets = [7], sizes = [1], strides = [1]} : vector<16xi32> to vector<1xi32>
      %squeeze3A_406 = vector.extract %slice3A_405[0] : i32 from vector<1xi32>
      %broadcast_in_dim3A_407 = vector.broadcast %squeeze3A_406 : i32 to vector<16xi32>
      %gather3A_408 = tpu.vector_load_idx %arg9[%iota3A, %broadcast_in_dim3A_404] : memref<32x1024xf32, #tpu.memory_space<vmem>>[vector<16xi32>, vector<16xi32>], vector<16xf32>,
      %add3A_409 = arith.constant 16 : i32
      %add3A_410 = vector.broadcast %add3A_409 : i32 to vector<16xi32>
      %add3A_411 = arith.addi %iota3A, %add3A_410 : vector<16xi32>
      %gather3A_412 = tpu.vector_load_idx %arg9[%add3A_411, %broadcast_in_dim3A_404] : memref<32x1024xf32, #tpu.memory_space<vmem>>[vector<16xi32>, vector<16xi32>], vector<16xf32>,
      %gather3A_413 = tpu.vector_load_idx %arg10[%iota3A, %broadcast_in_dim3A_407] : memref<32x1024xf32, #tpu.memory_space<vmem>>[vector<16xi32>, vector<16xi32>], vector<16xf32>,
      %add3A_414 = arith.constant 16 : i32
      %add3A_415 = vector.broadcast %add3A_414 : i32 to vector<16xi32>
      %add3A_416 = arith.addi %iota3A, %add3A_415 : vector<16xi32>
      %gather3A_417 = tpu.vector_load_idx %arg10[%add3A_416, %broadcast_in_dim3A_407] : memref<32x1024xf32, #tpu.memory_space<vmem>>[vector<16xi32>, vector<16xi32>], vector<16xf32>,
      %mul3A_418 = arith.mulf %gather3A_408, %gather3A_413 : vector<16xf32>
      %mul3A_419 = arith.mulf %gather3A_412, %gather3A_417 : vector<16xf32>
      %add3A_420 = arith.addf %mul3A_418, %mul3A_419 : vector<16xf32>
      %swap3A_421 = arith.constant 112 : index
      %swap3A_422 = tpu.vector_load %arg11[%swap3A_421] {strides = array<i32>} : memref<256xf32, #tpu.memory_space<vmem>>, vector<16xf32>,
      tpu.vector_store %arg11[%swap3A_421], %add3A_420 {strides = array<i32>} : memref<256xf32, #tpu.memory_space<vmem>>, vector<16xf32>,
      %slice3A_423 = vector.extract_strided_slice %shift_left3A_17 {offsets = [8], sizes = [1], strides = [1]} : vector<16xi32> to vector<1xi32>
      %squeeze3A_424 = vector.extract %slice3A_423[0] : i32 from vector<1xi32>
      %multiple_of3A_425 = tpu.assume_multiple %squeeze3A_424, 128 : i32
      %slice3A_426 = vector.extract_strided_slice %shift_left3A_23 {offsets = [8], sizes = [1], strides = [1]} : vector<16xi32> to vector<1xi32>
      %squeeze3A_427 = vector.extract %slice3A_426[0] : i32 from vector<1xi32>
      %multiple_of3A_428 = tpu.assume_multiple %squeeze3A_427, 128 : i32
      %dma_start3A_429 = arith.constant 0 : i32
      %dma_start3A_430 = arith.constant 0 : i32
      %dma_start3A_431 = tpu.memref_slice %arg9[%dma_start3A_429, %dma_start3A_430] : memref<32x1024xf32, #tpu.memory_space<vmem>> -> memref<32x128xf32, #tpu.memory_space<vmem>>
      %dma_start3A_432 = arith.constant 0 : i32
      %dma_start3A_433 = tpu.memref_slice %arg4[%dma_start3A_432, %multiple_of3A_425] : memref<32x1000000xf32, #tpu.memory_space<hbm>> -> memref<32x128xf32, #tpu.memory_space<hbm>>
      %dma_start3A_434 = arith.constant 0 : i32
      %dma_start3A_435 = arith.constant 0 : i32
      %dma_start3A_436 = tpu.memref_slice %arg9[%dma_start3A_434, %dma_start3A_435] : memref<32x1024xf32, #tpu.memory_space<vmem>> -> memref<32x128xf32, #tpu.memory_space<vmem>>
      %dma_start3A_437 = arith.constant 0 : i32
      %dma_start3A_438 = tpu.memref_slice %arg4[%dma_start3A_437, %multiple_of3A_425] : memref<32x1000000xf32, #tpu.memory_space<hbm>> -> memref<32x128xf32, #tpu.memory_space<hbm>>
      tpu.enqueue_dma source(%dma_start3A_438 : memref<32x128xf32, #tpu.memory_space<hbm>>) target(%dma_start3A_436 : memref<32x128xf32, #tpu.memory_space<vmem>>) target_semaphore(%arg13 : memref<!tpu.dma_semaphore, #tpu.memory_space<semaphore_mem>>)
      %dma_start3A_439 = arith.constant 0 : i32
      %dma_start3A_440 = arith.constant 0 : i32
      %dma_start3A_441 = tpu.memref_slice %arg10[%dma_start3A_439, %dma_start3A_440] : memref<32x1024xf32, #tpu.memory_space<vmem>> -> memref<32x128xf32, #tpu.memory_space<vmem>>
      %dma_start3A_442 = arith.constant 0 : i32
      %dma_start3A_443 = tpu.memref_slice %arg5[%dma_start3A_442, %multiple_of3A_428] : memref<32x1000000xf32, #tpu.memory_space<hbm>> -> memref<32x128xf32, #tpu.memory_space<hbm>>
      %dma_start3A_444 = arith.constant 0 : i32
      %dma_start3A_445 = arith.constant 0 : i32
      %dma_start3A_446 = tpu.memref_slice %arg10[%dma_start3A_444, %dma_start3A_445] : memref<32x1024xf32, #tpu.memory_space<vmem>> -> memref<32x128xf32, #tpu.memory_space<vmem>>
      %dma_start3A_447 = arith.constant 0 : i32
      %dma_start3A_448 = tpu.memref_slice %arg5[%dma_start3A_447, %multiple_of3A_428] : memref<32x1000000xf32, #tpu.memory_space<hbm>> -> memref<32x128xf32, #tpu.memory_space<hbm>>
      tpu.enqueue_dma source(%dma_start3A_448 : memref<32x128xf32, #tpu.memory_space<hbm>>) target(%dma_start3A_446 : memref<32x128xf32, #tpu.memory_space<vmem>>) target_semaphore(%arg14 : memref<!tpu.dma_semaphore, #tpu.memory_space<semaphore_mem>>)
      %slice3A_449 = vector.extract_strided_slice %shift_left3A_17 {offsets = [9], sizes = [1], strides = [1]} : vector<16xi32> to vector<1xi32>
      %squeeze3A_450 = vector.extract %slice3A_449[0] : i32 from vector<1xi32>
      %multiple_of3A_451 = tpu.assume_multiple %squeeze3A_450, 128 : i32
      %slice3A_452 = vector.extract_strided_slice %shift_left3A_23 {offsets = [9], sizes = [1], strides = [1]} : vector<16xi32> to vector<1xi32>
      %squeeze3A_453 = vector.extract %slice3A_452[0] : i32 from vector<1xi32>
      %multiple_of3A_454 = tpu.assume_multiple %squeeze3A_453, 128 : i32
      %dma_start3A_455 = arith.constant 0 : i32
      %dma_start3A_456 = arith.constant 128 : i32
      %dma_start3A_457 = tpu.memref_slice %arg9[%dma_start3A_455, %dma_start3A_456] : memref<32x1024xf32, #tpu.memory_space<vmem>> -> memref<32x128xf32, #tpu.memory_space<vmem>>
      %dma_start3A_458 = arith.constant 0 : i32
      %dma_start3A_459 = tpu.memref_slice %arg4[%dma_start3A_458, %multiple_of3A_451] : memref<32x1000000xf32, #tpu.memory_space<hbm>> -> memref<32x128xf32, #tpu.memory_space<hbm>>
      %dma_start3A_460 = arith.constant 0 : i32
      %dma_start3A_461 = arith.constant 128 : i32
      %dma_start3A_462 = tpu.memref_slice %arg9[%dma_start3A_460, %dma_start3A_461] : memref<32x1024xf32, #tpu.memory_space<vmem>> -> memref<32x128xf32, #tpu.memory_space<vmem>>
      %dma_start3A_463 = arith.constant 0 : i32
      %dma_start3A_464 = tpu.memref_slice %arg4[%dma_start3A_463, %multiple_of3A_451] : memref<32x1000000xf32, #tpu.memory_space<hbm>> -> memref<32x128xf32, #tpu.memory_space<hbm>>
      tpu.enqueue_dma source(%dma_start3A_464 : memref<32x128xf32, #tpu.memory_space<hbm>>) target(%dma_start3A_462 : memref<32x128xf32, #tpu.memory_space<vmem>>) target_semaphore(%arg13 : memref<!tpu.dma_semaphore, #tpu.memory_space<semaphore_mem>>)
      %dma_start3A_465 = arith.constant 0 : i32
      %dma_start3A_466 = arith.constant 128 : i32
      %dma_start3A_467 = tpu.memref_slice %arg10[%dma_start3A_465, %dma_start3A_466] : memref<32x1024xf32, #tpu.memory_space<vmem>> -> memref<32x128xf32, #tpu.memory_space<vmem>>
      %dma_start3A_468 = arith.constant 0 : i32
      %dma_start3A_469 = tpu.memref_slice %arg5[%dma_start3A_468, %multiple_of3A_454] : memref<32x1000000xf32, #tpu.memory_space<hbm>> -> memref<32x128xf32, #tpu.memory_space<hbm>>
      %dma_start3A_470 = arith.constant 0 : i32
      %dma_start3A_471 = arith.constant 128 : i32
      %dma_start3A_472 = tpu.memref_slice %arg10[%dma_start3A_470, %dma_start3A_471] : memref<32x1024xf32, #tpu.memory_space<vmem>> -> memref<32x128xf32, #tpu.memory_space<vmem>>
      %dma_start3A_473 = arith.constant 0 : i32
      %dma_start3A_474 = tpu.memref_slice %arg5[%dma_start3A_473, %multiple_of3A_454] : memref<32x1000000xf32, #tpu.memory_space<hbm>> -> memref<32x128xf32, #tpu.memory_space<hbm>>
      tpu.enqueue_dma source(%dma_start3A_474 : memref<32x128xf32, #tpu.memory_space<hbm>>) target(%dma_start3A_472 : memref<32x128xf32, #tpu.memory_space<vmem>>) target_semaphore(%arg14 : memref<!tpu.dma_semaphore, #tpu.memory_space<semaphore_mem>>)
      %slice3A_475 = vector.extract_strided_slice %shift_left3A_17 {offsets = [10], sizes = [1], strides = [1]} : vector<16xi32> to vector<1xi32>
      %squeeze3A_476 = vector.extract %slice3A_475[0] : i32 from vector<1xi32>
      %multiple_of3A_477 = tpu.assume_multiple %squeeze3A_476, 128 : i32
      %slice3A_478 = vector.extract_strided_slice %shift_left3A_23 {offsets = [10], sizes = [1], strides = [1]} : vector<16xi32> to vector<1xi32>
      %squeeze3A_479 = vector.extract %slice3A_478[0] : i32 from vector<1xi32>
      %multiple_of3A_480 = tpu.assume_multiple %squeeze3A_479, 128 : i32
      %dma_start3A_481 = arith.constant 0 : i32
      %dma_start3A_482 = arith.constant 256 : i32
      %dma_start3A_483 = tpu.memref_slice %arg9[%dma_start3A_481, %dma_start3A_482] : memref<32x1024xf32, #tpu.memory_space<vmem>> -> memref<32x128xf32, #tpu.memory_space<vmem>>
      %dma_start3A_484 = arith.constant 0 : i32
      %dma_start3A_485 = tpu.memref_slice %arg4[%dma_start3A_484, %multiple_of3A_477] : memref<32x1000000xf32, #tpu.memory_space<hbm>> -> memref<32x128xf32, #tpu.memory_space<hbm>>
      %dma_start3A_486 = arith.constant 0 : i32
      %dma_start3A_487 = arith.constant 256 : i32
      %dma_start3A_488 = tpu.memref_slice %arg9[%dma_start3A_486, %dma_start3A_487] : memref<32x1024xf32, #tpu.memory_space<vmem>> -> memref<32x128xf32, #tpu.memory_space<vmem>>
      %dma_start3A_489 = arith.constant 0 : i32
      %dma_start3A_490 = tpu.memref_slice %arg4[%dma_start3A_489, %multiple_of3A_477] : memref<32x1000000xf32, #tpu.memory_space<hbm>> -> memref<32x128xf32, #tpu.memory_space<hbm>>
      tpu.enqueue_dma source(%dma_start3A_490 : memref<32x128xf32, #tpu.memory_space<hbm>>) target(%dma_start3A_488 : memref<32x128xf32, #tpu.memory_space<vmem>>) target_semaphore(%arg13 : memref<!tpu.dma_semaphore, #tpu.memory_space<semaphore_mem>>)
      %dma_start3A_491 = arith.constant 0 : i32
      %dma_start3A_492 = arith.constant 256 : i32
      %dma_start3A_493 = tpu.memref_slice %arg10[%dma_start3A_491, %dma_start3A_492] : memref<32x1024xf32, #tpu.memory_space<vmem>> -> memref<32x128xf32, #tpu.memory_space<vmem>>
      %dma_start3A_494 = arith.constant 0 : i32
      %dma_start3A_495 = tpu.memref_slice %arg5[%dma_start3A_494, %multiple_of3A_480] : memref<32x1000000xf32, #tpu.memory_space<hbm>> -> memref<32x128xf32, #tpu.memory_space<hbm>>
      %dma_start3A_496 = arith.constant 0 : i32
      %dma_start3A_497 = arith.constant 256 : i32
      %dma_start3A_498 = tpu.memref_slice %arg10[%dma_start3A_496, %dma_start3A_497] : memref<32x1024xf32, #tpu.memory_space<vmem>> -> memref<32x128xf32, #tpu.memory_space<vmem>>
      %dma_start3A_499 = arith.constant 0 : i32
      %dma_start3A_500 = tpu.memref_slice %arg5[%dma_start3A_499, %multiple_of3A_480] : memref<32x1000000xf32, #tpu.memory_space<hbm>> -> memref<32x128xf32, #tpu.memory_space<hbm>>
      tpu.enqueue_dma source(%dma_start3A_500 : memref<32x128xf32, #tpu.memory_space<hbm>>) target(%dma_start3A_498 : memref<32x128xf32, #tpu.memory_space<vmem>>) target_semaphore(%arg14 : memref<!tpu.dma_semaphore, #tpu.memory_space<semaphore_mem>>)
      %slice3A_501 = vector.extract_strided_slice %shift_left3A_17 {offsets = [11], sizes = [1], strides = [1]} : vector<16xi32> to vector<1xi32>
      %squeeze3A_502 = vector.extract %slice3A_501[0] : i32 from vector<1xi32>
      %multiple_of3A_503 = tpu.assume_multiple %squeeze3A_502, 128 : i32
      %slice3A_504 = vector.extract_strided_slice %shift_left3A_23 {offsets = [11], sizes = [1], strides = [1]} : vector<16xi32> to vector<1xi32>
      %squeeze3A_505 = vector.extract %slice3A_504[0] : i32 from vector<1xi32>
      %multiple_of3A_506 = tpu.assume_multiple %squeeze3A_505, 128 : i32
      %dma_start3A_507 = arith.constant 0 : i32
      %dma_start3A_508 = arith.constant 384 : i32
      %dma_start3A_509 = tpu.memref_slice %arg9[%dma_start3A_507, %dma_start3A_508] : memref<32x1024xf32, #tpu.memory_space<vmem>> -> memref<32x128xf32, #tpu.memory_space<vmem>>
      %dma_start3A_510 = arith.constant 0 : i32
      %dma_start3A_511 = tpu.memref_slice %arg4[%dma_start3A_510, %multiple_of3A_503] : memref<32x1000000xf32, #tpu.memory_space<hbm>> -> memref<32x128xf32, #tpu.memory_space<hbm>>
      %dma_start3A_512 = arith.constant 0 : i32
      %dma_start3A_513 = arith.constant 384 : i32
      %dma_start3A_514 = tpu.memref_slice %arg9[%dma_start3A_512, %dma_start3A_513] : memref<32x1024xf32, #tpu.memory_space<vmem>> -> memref<32x128xf32, #tpu.memory_space<vmem>>
      %dma_start3A_515 = arith.constant 0 : i32
      %dma_start3A_516 = tpu.memref_slice %arg4[%dma_start3A_515, %multiple_of3A_503] : memref<32x1000000xf32, #tpu.memory_space<hbm>> -> memref<32x128xf32, #tpu.memory_space<hbm>>
      tpu.enqueue_dma source(%dma_start3A_516 : memref<32x128xf32, #tpu.memory_space<hbm>>) target(%dma_start3A_514 : memref<32x128xf32, #tpu.memory_space<vmem>>) target_semaphore(%arg13 : memref<!tpu.dma_semaphore, #tpu.memory_space<semaphore_mem>>)
      %dma_start3A_517 = arith.constant 0 : i32
      %dma_start3A_518 = arith.constant 384 : i32
      %dma_start3A_519 = tpu.memref_slice %arg10[%dma_start3A_517, %dma_start3A_518] : memref<32x1024xf32, #tpu.memory_space<vmem>> -> memref<32x128xf32, #tpu.memory_space<vmem>>
      %dma_start3A_520 = arith.constant 0 : i32
      %dma_start3A_521 = tpu.memref_slice %arg5[%dma_start3A_520, %multiple_of3A_506] : memref<32x1000000xf32, #tpu.memory_space<hbm>> -> memref<32x128xf32, #tpu.memory_space<hbm>>
      %dma_start3A_522 = arith.constant 0 : i32
      %dma_start3A_523 = arith.constant 384 : i32
      %dma_start3A_524 = tpu.memref_slice %arg10[%dma_start3A_522, %dma_start3A_523] : memref<32x1024xf32, #tpu.memory_space<vmem>> -> memref<32x128xf32, #tpu.memory_space<vmem>>
      %dma_start3A_525 = arith.constant 0 : i32
      %dma_start3A_526 = tpu.memref_slice %arg5[%dma_start3A_525, %multiple_of3A_506] : memref<32x1000000xf32, #tpu.memory_space<hbm>> -> memref<32x128xf32, #tpu.memory_space<hbm>>
      tpu.enqueue_dma source(%dma_start3A_526 : memref<32x128xf32, #tpu.memory_space<hbm>>) target(%dma_start3A_524 : memref<32x128xf32, #tpu.memory_space<vmem>>) target_semaphore(%arg14 : memref<!tpu.dma_semaphore, #tpu.memory_space<semaphore_mem>>)
      %slice3A_527 = vector.extract_strided_slice %shift_left3A_17 {offsets = [12], sizes = [1], strides = [1]} : vector<16xi32> to vector<1xi32>
      %squeeze3A_528 = vector.extract %slice3A_527[0] : i32 from vector<1xi32>
      %multiple_of3A_529 = tpu.assume_multiple %squeeze3A_528, 128 : i32
      %slice3A_530 = vector.extract_strided_slice %shift_left3A_23 {offsets = [12], sizes = [1], strides = [1]} : vector<16xi32> to vector<1xi32>
      %squeeze3A_531 = vector.extract %slice3A_530[0] : i32 from vector<1xi32>
      %multiple_of3A_532 = tpu.assume_multiple %squeeze3A_531, 128 : i32
      %dma_start3A_533 = arith.constant 0 : i32
      %dma_start3A_534 = arith.constant 512 : i32
      %dma_start3A_535 = tpu.memref_slice %arg9[%dma_start3A_533, %dma_start3A_534] : memref<32x1024xf32, #tpu.memory_space<vmem>> -> memref<32x128xf32, #tpu.memory_space<vmem>>
      %dma_start3A_536 = arith.constant 0 : i32
      %dma_start3A_537 = tpu.memref_slice %arg4[%dma_start3A_536, %multiple_of3A_529] : memref<32x1000000xf32, #tpu.memory_space<hbm>> -> memref<32x128xf32, #tpu.memory_space<hbm>>
      %dma_start3A_538 = arith.constant 0 : i32
      %dma_start3A_539 = arith.constant 512 : i32
      %dma_start3A_540 = tpu.memref_slice %arg9[%dma_start3A_538, %dma_start3A_539] : memref<32x1024xf32, #tpu.memory_space<vmem>> -> memref<32x128xf32, #tpu.memory_space<vmem>>
      %dma_start3A_541 = arith.constant 0 : i32
      %dma_start3A_542 = tpu.memref_slice %arg4[%dma_start3A_541, %multiple_of3A_529] : memref<32x1000000xf32, #tpu.memory_space<hbm>> -> memref<32x128xf32, #tpu.memory_space<hbm>>
      tpu.enqueue_dma source(%dma_start3A_542 : memref<32x128xf32, #tpu.memory_space<hbm>>) target(%dma_start3A_540 : memref<32x128xf32, #tpu.memory_space<vmem>>) target_semaphore(%arg13 : memref<!tpu.dma_semaphore, #tpu.memory_space<semaphore_mem>>)
      %dma_start3A_543 = arith.constant 0 : i32
      %dma_start3A_544 = arith.constant 512 : i32
      %dma_start3A_545 = tpu.memref_slice %arg10[%dma_start3A_543, %dma_start3A_544] : memref<32x1024xf32, #tpu.memory_space<vmem>> -> memref<32x128xf32, #tpu.memory_space<vmem>>
      %dma_start3A_546 = arith.constant 0 : i32
      %dma_start3A_547 = tpu.memref_slice %arg5[%dma_start3A_546, %multiple_of3A_532] : memref<32x1000000xf32, #tpu.memory_space<hbm>> -> memref<32x128xf32, #tpu.memory_space<hbm>>
      %dma_start3A_548 = arith.constant 0 : i32
      %dma_start3A_549 = arith.constant 512 : i32
      %dma_start3A_550 = tpu.memref_slice %arg10[%dma_start3A_548, %dma_start3A_549] : memref<32x1024xf32, #tpu.memory_space<vmem>> -> memref<32x128xf32, #tpu.memory_space<vmem>>
      %dma_start3A_551 = arith.constant 0 : i32
      %dma_start3A_552 = tpu.memref_slice %arg5[%dma_start3A_551, %multiple_of3A_532] : memref<32x1000000xf32, #tpu.memory_space<hbm>> -> memref<32x128xf32, #tpu.memory_space<hbm>>
      tpu.enqueue_dma source(%dma_start3A_552 : memref<32x128xf32, #tpu.memory_space<hbm>>) target(%dma_start3A_550 : memref<32x128xf32, #tpu.memory_space<vmem>>) target_semaphore(%arg14 : memref<!tpu.dma_semaphore, #tpu.memory_space<semaphore_mem>>)
      %slice3A_553 = vector.extract_strided_slice %shift_left3A_17 {offsets = [13], sizes = [1], strides = [1]} : vector<16xi32> to vector<1xi32>
      %squeeze3A_554 = vector.extract %slice3A_553[0] : i32 from vector<1xi32>
      %multiple_of3A_555 = tpu.assume_multiple %squeeze3A_554, 128 : i32
      %slice3A_556 = vector.extract_strided_slice %shift_left3A_23 {offsets = [13], sizes = [1], strides = [1]} : vector<16xi32> to vector<1xi32>
      %squeeze3A_557 = vector.extract %slice3A_556[0] : i32 from vector<1xi32>
      %multiple_of3A_558 = tpu.assume_multiple %squeeze3A_557, 128 : i32
      %dma_start3A_559 = arith.constant 0 : i32
      %dma_start3A_560 = arith.constant 640 : i32
      %dma_start3A_561 = tpu.memref_slice %arg9[%dma_start3A_559, %dma_start3A_560] : memref<32x1024xf32, #tpu.memory_space<vmem>> -> memref<32x128xf32, #tpu.memory_space<vmem>>
      %dma_start3A_562 = arith.constant 0 : i32
      %dma_start3A_563 = tpu.memref_slice %arg4[%dma_start3A_562, %multiple_of3A_555] : memref<32x1000000xf32, #tpu.memory_space<hbm>> -> memref<32x128xf32, #tpu.memory_space<hbm>>
      %dma_start3A_564 = arith.constant 0 : i32
      %dma_start3A_565 = arith.constant 640 : i32
      %dma_start3A_566 = tpu.memref_slice %arg9[%dma_start3A_564, %dma_start3A_565] : memref<32x1024xf32, #tpu.memory_space<vmem>> -> memref<32x128xf32, #tpu.memory_space<vmem>>
      %dma_start3A_567 = arith.constant 0 : i32
      %dma_start3A_568 = tpu.memref_slice %arg4[%dma_start3A_567, %multiple_of3A_555] : memref<32x1000000xf32, #tpu.memory_space<hbm>> -> memref<32x128xf32, #tpu.memory_space<hbm>>
      tpu.enqueue_dma source(%dma_start3A_568 : memref<32x128xf32, #tpu.memory_space<hbm>>) target(%dma_start3A_566 : memref<32x128xf32, #tpu.memory_space<vmem>>) target_semaphore(%arg13 : memref<!tpu.dma_semaphore, #tpu.memory_space<semaphore_mem>>)
      %dma_start3A_569 = arith.constant 0 : i32
      %dma_start3A_570 = arith.constant 640 : i32
      %dma_start3A_571 = tpu.memref_slice %arg10[%dma_start3A_569, %dma_start3A_570] : memref<32x1024xf32, #tpu.memory_space<vmem>> -> memref<32x128xf32, #tpu.memory_space<vmem>>
      %dma_start3A_572 = arith.constant 0 : i32
      %dma_start3A_573 = tpu.memref_slice %arg5[%dma_start3A_572, %multiple_of3A_558] : memref<32x1000000xf32, #tpu.memory_space<hbm>> -> memref<32x128xf32, #tpu.memory_space<hbm>>
      %dma_start3A_574 = arith.constant 0 : i32
      %dma_start3A_575 = arith.constant 640 : i32
      %dma_start3A_576 = tpu.memref_slice %arg10[%dma_start3A_574, %dma_start3A_575] : memref<32x1024xf32, #tpu.memory_space<vmem>> -> memref<32x128xf32, #tpu.memory_space<vmem>>
      %dma_start3A_577 = arith.constant 0 : i32
      %dma_start3A_578 = tpu.memref_slice %arg5[%dma_start3A_577, %multiple_of3A_558] : memref<32x1000000xf32, #tpu.memory_space<hbm>> -> memref<32x128xf32, #tpu.memory_space<hbm>>
      tpu.enqueue_dma source(%dma_start3A_578 : memref<32x128xf32, #tpu.memory_space<hbm>>) target(%dma_start3A_576 : memref<32x128xf32, #tpu.memory_space<vmem>>) target_semaphore(%arg14 : memref<!tpu.dma_semaphore, #tpu.memory_space<semaphore_mem>>)
      %slice3A_579 = vector.extract_strided_slice %shift_left3A_17 {offsets = [14], sizes = [1], strides = [1]} : vector<16xi32> to vector<1xi32>
      %squeeze3A_580 = vector.extract %slice3A_579[0] : i32 from vector<1xi32>
      %multiple_of3A_581 = tpu.assume_multiple %squeeze3A_580, 128 : i32
      %slice3A_582 = vector.extract_strided_slice %shift_left3A_23 {offsets = [14], sizes = [1], strides = [1]} : vector<16xi32> to vector<1xi32>
      %squeeze3A_583 = vector.extract %slice3A_582[0] : i32 from vector<1xi32>
      %multiple_of3A_584 = tpu.assume_multiple %squeeze3A_583, 128 : i32
      %dma_start3A_585 = arith.constant 0 : i32
      %dma_start3A_586 = arith.constant 768 : i32
      %dma_start3A_587 = tpu.memref_slice %arg9[%dma_start3A_585, %dma_start3A_586] : memref<32x1024xf32, #tpu.memory_space<vmem>> -> memref<32x128xf32, #tpu.memory_space<vmem>>
      %dma_start3A_588 = arith.constant 0 : i32
      %dma_start3A_589 = tpu.memref_slice %arg4[%dma_start3A_588, %multiple_of3A_581] : memref<32x1000000xf32, #tpu.memory_space<hbm>> -> memref<32x128xf32, #tpu.memory_space<hbm>>
      %dma_start3A_590 = arith.constant 0 : i32
      %dma_start3A_591 = arith.constant 768 : i32
      %dma_start3A_592 = tpu.memref_slice %arg9[%dma_start3A_590, %dma_start3A_591] : memref<32x1024xf32, #tpu.memory_space<vmem>> -> memref<32x128xf32, #tpu.memory_space<vmem>>
      %dma_start3A_593 = arith.constant 0 : i32
      %dma_start3A_594 = tpu.memref_slice %arg4[%dma_start3A_593, %multiple_of3A_581] : memref<32x1000000xf32, #tpu.memory_space<hbm>> -> memref<32x128xf32, #tpu.memory_space<hbm>>
      tpu.enqueue_dma source(%dma_start3A_594 : memref<32x128xf32, #tpu.memory_space<hbm>>) target(%dma_start3A_592 : memref<32x128xf32, #tpu.memory_space<vmem>>) target_semaphore(%arg13 : memref<!tpu.dma_semaphore, #tpu.memory_space<semaphore_mem>>)
      %dma_start3A_595 = arith.constant 0 : i32
      %dma_start3A_596 = arith.constant 768 : i32
      %dma_start3A_597 = tpu.memref_slice %arg10[%dma_start3A_595, %dma_start3A_596] : memref<32x1024xf32, #tpu.memory_space<vmem>> -> memref<32x128xf32, #tpu.memory_space<vmem>>
      %dma_start3A_598 = arith.constant 0 : i32
      %dma_start3A_599 = tpu.memref_slice %arg5[%dma_start3A_598, %multiple_of3A_584] : memref<32x1000000xf32, #tpu.memory_space<hbm>> -> memref<32x128xf32, #tpu.memory_space<hbm>>
      %dma_start3A_600 = arith.constant 0 : i32
      %dma_start3A_601 = arith.constant 768 : i32
      %dma_start3A_602 = tpu.memref_slice %arg10[%dma_start3A_600, %dma_start3A_601] : memref<32x1024xf32, #tpu.memory_space<vmem>> -> memref<32x128xf32, #tpu.memory_space<vmem>>
      %dma_start3A_603 = arith.constant 0 : i32
      %dma_start3A_604 = tpu.memref_slice %arg5[%dma_start3A_603, %multiple_of3A_584] : memref<32x1000000xf32, #tpu.memory_space<hbm>> -> memref<32x128xf32, #tpu.memory_space<hbm>>
      tpu.enqueue_dma source(%dma_start3A_604 : memref<32x128xf32, #tpu.memory_space<hbm>>) target(%dma_start3A_602 : memref<32x128xf32, #tpu.memory_space<vmem>>) target_semaphore(%arg14 : memref<!tpu.dma_semaphore, #tpu.memory_space<semaphore_mem>>)
      %slice3A_605 = vector.extract_strided_slice %shift_left3A_17 {offsets = [15], sizes = [1], strides = [1]} : vector<16xi32> to vector<1xi32>
      %squeeze3A_606 = vector.extract %slice3A_605[0] : i32 from vector<1xi32>
      %multiple_of3A_607 = tpu.assume_multiple %squeeze3A_606, 128 : i32
      %slice3A_608 = vector.extract_strided_slice %shift_left3A_23 {offsets = [15], sizes = [1], strides = [1]} : vector<16xi32> to vector<1xi32>
      %squeeze3A_609 = vector.extract %slice3A_608[0] : i32 from vector<1xi32>
      %multiple_of3A_610 = tpu.assume_multiple %squeeze3A_609, 128 : i32
      %dma_start3A_611 = arith.constant 0 : i32
      %dma_start3A_612 = arith.constant 896 : i32
      %dma_start3A_613 = tpu.memref_slice %arg9[%dma_start3A_611, %dma_start3A_612] : memref<32x1024xf32, #tpu.memory_space<vmem>> -> memref<32x128xf32, #tpu.memory_space<vmem>>
      %dma_start3A_614 = arith.constant 0 : i32
      %dma_start3A_615 = tpu.memref_slice %arg4[%dma_start3A_614, %multiple_of3A_607] : memref<32x1000000xf32, #tpu.memory_space<hbm>> -> memref<32x128xf32, #tpu.memory_space<hbm>>
      %dma_start3A_616 = arith.constant 0 : i32
      %dma_start3A_617 = arith.constant 896 : i32
      %dma_start3A_618 = tpu.memref_slice %arg9[%dma_start3A_616, %dma_start3A_617] : memref<32x1024xf32, #tpu.memory_space<vmem>> -> memref<32x128xf32, #tpu.memory_space<vmem>>
      %dma_start3A_619 = arith.constant 0 : i32
      %dma_start3A_620 = tpu.memref_slice %arg4[%dma_start3A_619, %multiple_of3A_607] : memref<32x1000000xf32, #tpu.memory_space<hbm>> -> memref<32x128xf32, #tpu.memory_space<hbm>>
      tpu.enqueue_dma source(%dma_start3A_620 : memref<32x128xf32, #tpu.memory_space<hbm>>) target(%dma_start3A_618 : memref<32x128xf32, #tpu.memory_space<vmem>>) target_semaphore(%arg13 : memref<!tpu.dma_semaphore, #tpu.memory_space<semaphore_mem>>)
      %dma_start3A_621 = arith.constant 0 : i32
      %dma_start3A_622 = arith.constant 896 : i32
      %dma_start3A_623 = tpu.memref_slice %arg10[%dma_start3A_621, %dma_start3A_622] : memref<32x1024xf32, #tpu.memory_space<vmem>> -> memref<32x128xf32, #tpu.memory_space<vmem>>
      %dma_start3A_624 = arith.constant 0 : i32
      %dma_start3A_625 = tpu.memref_slice %arg5[%dma_start3A_624, %multiple_of3A_610] : memref<32x1000000xf32, #tpu.memory_space<hbm>> -> memref<32x128xf32, #tpu.memory_space<hbm>>
      %dma_start3A_626 = arith.constant 0 : i32
      %dma_start3A_627 = arith.constant 896 : i32
      %dma_start3A_628 = tpu.memref_slice %arg10[%dma_start3A_626, %dma_start3A_627] : memref<32x1024xf32, #tpu.memory_space<vmem>> -> memref<32x128xf32, #tpu.memory_space<vmem>>
      %dma_start3A_629 = arith.constant 0 : i32
      %dma_start3A_630 = tpu.memref_slice %arg5[%dma_start3A_629, %multiple_of3A_610] : memref<32x1000000xf32, #tpu.memory_space<hbm>> -> memref<32x128xf32, #tpu.memory_space<hbm>>
      tpu.enqueue_dma source(%dma_start3A_630 : memref<32x128xf32, #tpu.memory_space<hbm>>) target(%dma_start3A_628 : memref<32x128xf32, #tpu.memory_space<vmem>>) target_semaphore(%arg14 : memref<!tpu.dma_semaphore, #tpu.memory_space<semaphore_mem>>)
      %dma_wait3A_631 = arith.constant 0 : i32
      %dma_wait3A_632 = arith.constant 0 : i32
      %dma_wait3A_633 = tpu.memref_slice %arg4[%dma_wait3A_631, %dma_wait3A_632] : memref<32x1000000xf32, #tpu.memory_space<hbm>> -> memref<32x1024xf32, #tpu.memory_space<hbm>>
      %dma_wait3A_634 = arith.constant 0 : i32
      %dma_wait3A_635 = arith.constant 0 : i32
      %dma_wait3A_636 = tpu.memref_slice %arg4[%dma_wait3A_634, %dma_wait3A_635] : memref<32x1000000xf32, #tpu.memory_space<hbm>> -> memref<32x1024xf32, #tpu.memory_space<hbm>>
      tpu.wait_dma2 semaphore(%arg13 : memref<!tpu.dma_semaphore, #tpu.memory_space<semaphore_mem>>) src(%dma_wait3A_636 : memref<32x1024xf32, #tpu.memory_space<hbm>>) dst(%arg9 : memref<32x1024xf32, #tpu.memory_space<vmem>>)
      %dma_wait3A_637 = arith.constant 0 : i32
      %dma_wait3A_638 = arith.constant 0 : i32
      %dma_wait3A_639 = tpu.memref_slice %arg5[%dma_wait3A_637, %dma_wait3A_638] : memref<32x1000000xf32, #tpu.memory_space<hbm>> -> memref<32x1024xf32, #tpu.memory_space<hbm>>
      %dma_wait3A_640 = arith.constant 0 : i32
      %dma_wait3A_641 = arith.constant 0 : i32
      %dma_wait3A_642 = tpu.memref_slice %arg5[%dma_wait3A_640, %dma_wait3A_641] : memref<32x1000000xf32, #tpu.memory_space<hbm>> -> memref<32x1024xf32, #tpu.memory_space<hbm>>
      tpu.wait_dma2 semaphore(%arg14 : memref<!tpu.dma_semaphore, #tpu.memory_space<semaphore_mem>>) src(%dma_wait3A_642 : memref<32x1024xf32, #tpu.memory_space<hbm>>) dst(%arg10 : memref<32x1024xf32, #tpu.memory_space<vmem>>)
      %slice3A_643 = vector.extract_strided_slice %add3A_32 {offsets = [8], sizes = [1], strides = [1]} : vector<16xi32> to vector<1xi32>
      %squeeze3A_644 = vector.extract %slice3A_643[0] : i32 from vector<1xi32>
      %broadcast_in_dim3A_645 = vector.broadcast %squeeze3A_644 : i32 to vector<16xi32>
      %slice3A_646 = vector.extract_strided_slice %add3A_42 {offsets = [8], sizes = [1], strides = [1]} : vector<16xi32> to vector<1xi32>
      %squeeze3A_647 = vector.extract %slice3A_646[0] : i32 from vector<1xi32>
      %broadcast_in_dim3A_648 = vector.broadcast %squeeze3A_647 : i32 to vector<16xi32>
      %gather3A_649 = tpu.vector_load_idx %arg9[%iota3A, %broadcast_in_dim3A_645] : memref<32x1024xf32, #tpu.memory_space<vmem>>[vector<16xi32>, vector<16xi32>], vector<16xf32>,
      %add3A_650 = arith.constant 16 : i32
      %add3A_651 = vector.broadcast %add3A_650 : i32 to vector<16xi32>
      %add3A_652 = arith.addi %iota3A, %add3A_651 : vector<16xi32>
      %gather3A_653 = tpu.vector_load_idx %arg9[%add3A_652, %broadcast_in_dim3A_645] : memref<32x1024xf32, #tpu.memory_space<vmem>>[vector<16xi32>, vector<16xi32>], vector<16xf32>,
      %gather3A_654 = tpu.vector_load_idx %arg10[%iota3A, %broadcast_in_dim3A_648] : memref<32x1024xf32, #tpu.memory_space<vmem>>[vector<16xi32>, vector<16xi32>], vector<16xf32>,
      %add3A_655 = arith.constant 16 : i32
      %add3A_656 = vector.broadcast %add3A_655 : i32 to vector<16xi32>
      %add3A_657 = arith.addi %iota3A, %add3A_656 : vector<16xi32>
      %gather3A_658 = tpu.vector_load_idx %arg10[%add3A_657, %broadcast_in_dim3A_648] : memref<32x1024xf32, #tpu.memory_space<vmem>>[vector<16xi32>, vector<16xi32>], vector<16xf32>,
      %mul3A_659 = arith.mulf %gather3A_649, %gather3A_654 : vector<16xf32>
      %mul3A_660 = arith.mulf %gather3A_653, %gather3A_658 : vector<16xf32>
      %add3A_661 = arith.addf %mul3A_659, %mul3A_660 : vector<16xf32>
      %swap3A_662 = arith.constant 128 : index
      %swap3A_663 = tpu.vector_load %arg11[%swap3A_662] {strides = array<i32>} : memref<256xf32, #tpu.memory_space<vmem>>, vector<16xf32>,
      tpu.vector_store %arg11[%swap3A_662], %add3A_661 {strides = array<i32>} : memref<256xf32, #tpu.memory_space<vmem>>, vector<16xf32>,
      %slice3A_664 = vector.extract_strided_slice %add3A_32 {offsets = [9], sizes = [1], strides = [1]} : vector<16xi32> to vector<1xi32>
      %squeeze3A_665 = vector.extract %slice3A_664[0] : i32 from vector<1xi32>
      %broadcast_in_dim3A_666 = vector.broadcast %squeeze3A_665 : i32 to vector<16xi32>
      %slice3A_667 = vector.extract_strided_slice %add3A_42 {offsets = [9], sizes = [1], strides = [1]} : vector<16xi32> to vector<1xi32>
      %squeeze3A_668 = vector.extract %slice3A_667[0] : i32 from vector<1xi32>
      %broadcast_in_dim3A_669 = vector.broadcast %squeeze3A_668 : i32 to vector<16xi32>
      %gather3A_670 = tpu.vector_load_idx %arg9[%iota3A, %broadcast_in_dim3A_666] : memref<32x1024xf32, #tpu.memory_space<vmem>>[vector<16xi32>, vector<16xi32>], vector<16xf32>,
      %add3A_671 = arith.constant 16 : i32
      %add3A_672 = vector.broadcast %add3A_671 : i32 to vector<16xi32>
      %add3A_673 = arith.addi %iota3A, %add3A_672 : vector<16xi32>
      %gather3A_674 = tpu.vector_load_idx %arg9[%add3A_673, %broadcast_in_dim3A_666] : memref<32x1024xf32, #tpu.memory_space<vmem>>[vector<16xi32>, vector<16xi32>], vector<16xf32>,
      %gather3A_675 = tpu.vector_load_idx %arg10[%iota3A, %broadcast_in_dim3A_669] : memref<32x1024xf32, #tpu.memory_space<vmem>>[vector<16xi32>, vector<16xi32>], vector<16xf32>,
      %add3A_676 = arith.constant 16 : i32
      %add3A_677 = vector.broadcast %add3A_676 : i32 to vector<16xi32>
      %add3A_678 = arith.addi %iota3A, %add3A_677 : vector<16xi32>
      %gather3A_679 = tpu.vector_load_idx %arg10[%add3A_678, %broadcast_in_dim3A_669] : memref<32x1024xf32, #tpu.memory_space<vmem>>[vector<16xi32>, vector<16xi32>], vector<16xf32>,
      %mul3A_680 = arith.mulf %gather3A_670, %gather3A_675 : vector<16xf32>
      %mul3A_681 = arith.mulf %gather3A_674, %gather3A_679 : vector<16xf32>
      %add3A_682 = arith.addf %mul3A_680, %mul3A_681 : vector<16xf32>
      %swap3A_683 = arith.constant 144 : index
      %swap3A_684 = tpu.vector_load %arg11[%swap3A_683] {strides = array<i32>} : memref<256xf32, #tpu.memory_space<vmem>>, vector<16xf32>,
      tpu.vector_store %arg11[%swap3A_683], %add3A_682 {strides = array<i32>} : memref<256xf32, #tpu.memory_space<vmem>>, vector<16xf32>,
      %slice3A_685 = vector.extract_strided_slice %add3A_32 {offsets = [10], sizes = [1], strides = [1]} : vector<16xi32> to vector<1xi32>
      %squeeze3A_686 = vector.extract %slice3A_685[0] : i32 from vector<1xi32>
      %broadcast_in_dim3A_687 = vector.broadcast %squeeze3A_686 : i32 to vector<16xi32>
      %slice3A_688 = vector.extract_strided_slice %add3A_42 {offsets = [10], sizes = [1], strides = [1]} : vector<16xi32> to vector<1xi32>
      %squeeze3A_689 = vector.extract %slice3A_688[0] : i32 from vector<1xi32>
      %broadcast_in_dim3A_690 = vector.broadcast %squeeze3A_689 : i32 to vector<16xi32>
      %gather3A_691 = tpu.vector_load_idx %arg9[%iota3A, %broadcast_in_dim3A_687] : memref<32x1024xf32, #tpu.memory_space<vmem>>[vector<16xi32>, vector<16xi32>], vector<16xf32>,
      %add3A_692 = arith.constant 16 : i32
      %add3A_693 = vector.broadcast %add3A_692 : i32 to vector<16xi32>
      %add3A_694 = arith.addi %iota3A, %add3A_693 : vector<16xi32>
      %gather3A_695 = tpu.vector_load_idx %arg9[%add3A_694, %broadcast_in_dim3A_687] : memref<32x1024xf32, #tpu.memory_space<vmem>>[vector<16xi32>, vector<16xi32>], vector<16xf32>,
      %gather3A_696 = tpu.vector_load_idx %arg10[%iota3A, %broadcast_in_dim3A_690] : memref<32x1024xf32, #tpu.memory_space<vmem>>[vector<16xi32>, vector<16xi32>], vector<16xf32>,
      %add3A_697 = arith.constant 16 : i32
      %add3A_698 = vector.broadcast %add3A_697 : i32 to vector<16xi32>
      %add3A_699 = arith.addi %iota3A, %add3A_698 : vector<16xi32>
      %gather3A_700 = tpu.vector_load_idx %arg10[%add3A_699, %broadcast_in_dim3A_690] : memref<32x1024xf32, #tpu.memory_space<vmem>>[vector<16xi32>, vector<16xi32>], vector<16xf32>,
      %mul3A_701 = arith.mulf %gather3A_691, %gather3A_696 : vector<16xf32>
      %mul3A_702 = arith.mulf %gather3A_695, %gather3A_700 : vector<16xf32>
      %add3A_703 = arith.addf %mul3A_701, %mul3A_702 : vector<16xf32>
      %swap3A_704 = arith.constant 160 : index
      %swap3A_705 = tpu.vector_load %arg11[%swap3A_704] {strides = array<i32>} : memref<256xf32, #tpu.memory_space<vmem>>, vector<16xf32>,
      tpu.vector_store %arg11[%swap3A_704], %add3A_703 {strides = array<i32>} : memref<256xf32, #tpu.memory_space<vmem>>, vector<16xf32>,
      %slice3A_706 = vector.extract_strided_slice %add3A_32 {offsets = [11], sizes = [1], strides = [1]} : vector<16xi32> to vector<1xi32>
      %squeeze3A_707 = vector.extract %slice3A_706[0] : i32 from vector<1xi32>
      %broadcast_in_dim3A_708 = vector.broadcast %squeeze3A_707 : i32 to vector<16xi32>
      %slice3A_709 = vector.extract_strided_slice %add3A_42 {offsets = [11], sizes = [1], strides = [1]} : vector<16xi32> to vector<1xi32>
      %squeeze3A_710 = vector.extract %slice3A_709[0] : i32 from vector<1xi32>
      %broadcast_in_dim3A_711 = vector.broadcast %squeeze3A_710 : i32 to vector<16xi32>
      %gather3A_712 = tpu.vector_load_idx %arg9[%iota3A, %broadcast_in_dim3A_708] : memref<32x1024xf32, #tpu.memory_space<vmem>>[vector<16xi32>, vector<16xi32>], vector<16xf32>,
      %add3A_713 = arith.constant 16 : i32
      %add3A_714 = vector.broadcast %add3A_713 : i32 to vector<16xi32>
      %add3A_715 = arith.addi %iota3A, %add3A_714 : vector<16xi32>
      %gather3A_716 = tpu.vector_load_idx %arg9[%add3A_715, %broadcast_in_dim3A_708] : memref<32x1024xf32, #tpu.memory_space<vmem>>[vector<16xi32>, vector<16xi32>], vector<16xf32>,
      %gather3A_717 = tpu.vector_load_idx %arg10[%iota3A, %broadcast_in_dim3A_711] : memref<32x1024xf32, #tpu.memory_space<vmem>>[vector<16xi32>, vector<16xi32>], vector<16xf32>,
      %add3A_718 = arith.constant 16 : i32
      %add3A_719 = vector.broadcast %add3A_718 : i32 to vector<16xi32>
      %add3A_720 = arith.addi %iota3A, %add3A_719 : vector<16xi32>
      %gather3A_721 = tpu.vector_load_idx %arg10[%add3A_720, %broadcast_in_dim3A_711] : memref<32x1024xf32, #tpu.memory_space<vmem>>[vector<16xi32>, vector<16xi32>], vector<16xf32>,
      %mul3A_722 = arith.mulf %gather3A_712, %gather3A_717 : vector<16xf32>
      %mul3A_723 = arith.mulf %gather3A_716, %gather3A_721 : vector<16xf32>
      %add3A_724 = arith.addf %mul3A_722, %mul3A_723 : vector<16xf32>
      %swap3A_725 = arith.constant 176 : index
      %swap3A_726 = tpu.vector_load %arg11[%swap3A_725] {strides = array<i32>} : memref<256xf32, #tpu.memory_space<vmem>>, vector<16xf32>,
      tpu.vector_store %arg11[%swap3A_725], %add3A_724 {strides = array<i32>} : memref<256xf32, #tpu.memory_space<vmem>>, vector<16xf32>,
      %slice3A_727 = vector.extract_strided_slice %add3A_32 {offsets = [12], sizes = [1], strides = [1]} : vector<16xi32> to vector<1xi32>
      %squeeze3A_728 = vector.extract %slice3A_727[0] : i32 from vector<1xi32>
      %broadcast_in_dim3A_729 = vector.broadcast %squeeze3A_728 : i32 to vector<16xi32>
      %slice3A_730 = vector.extract_strided_slice %add3A_42 {offsets = [12], sizes = [1], strides = [1]} : vector<16xi32> to vector<1xi32>
      %squeeze3A_731 = vector.extract %slice3A_730[0] : i32 from vector<1xi32>
      %broadcast_in_dim3A_732 = vector.broadcast %squeeze3A_731 : i32 to vector<16xi32>
      %gather3A_733 = tpu.vector_load_idx %arg9[%iota3A, %broadcast_in_dim3A_729] : memref<32x1024xf32, #tpu.memory_space<vmem>>[vector<16xi32>, vector<16xi32>], vector<16xf32>,
      %add3A_734 = arith.constant 16 : i32
      %add3A_735 = vector.broadcast %add3A_734 : i32 to vector<16xi32>
      %add3A_736 = arith.addi %iota3A, %add3A_735 : vector<16xi32>
      %gather3A_737 = tpu.vector_load_idx %arg9[%add3A_736, %broadcast_in_dim3A_729] : memref<32x1024xf32, #tpu.memory_space<vmem>>[vector<16xi32>, vector<16xi32>], vector<16xf32>,
      %gather3A_738 = tpu.vector_load_idx %arg10[%iota3A, %broadcast_in_dim3A_732] : memref<32x1024xf32, #tpu.memory_space<vmem>>[vector<16xi32>, vector<16xi32>], vector<16xf32>,
      %add3A_739 = arith.constant 16 : i32
      %add3A_740 = vector.broadcast %add3A_739 : i32 to vector<16xi32>
      %add3A_741 = arith.addi %iota3A, %add3A_740 : vector<16xi32>
      %gather3A_742 = tpu.vector_load_idx %arg10[%add3A_741, %broadcast_in_dim3A_732] : memref<32x1024xf32, #tpu.memory_space<vmem>>[vector<16xi32>, vector<16xi32>], vector<16xf32>,
      %mul3A_743 = arith.mulf %gather3A_733, %gather3A_738 : vector<16xf32>
      %mul3A_744 = arith.mulf %gather3A_737, %gather3A_742 : vector<16xf32>
      %add3A_745 = arith.addf %mul3A_743, %mul3A_744 : vector<16xf32>
      %swap3A_746 = arith.constant 192 : index
      %swap3A_747 = tpu.vector_load %arg11[%swap3A_746] {strides = array<i32>} : memref<256xf32, #tpu.memory_space<vmem>>, vector<16xf32>,
      tpu.vector_store %arg11[%swap3A_746], %add3A_745 {strides = array<i32>} : memref<256xf32, #tpu.memory_space<vmem>>, vector<16xf32>,
      %slice3A_748 = vector.extract_strided_slice %add3A_32 {offsets = [13], sizes = [1], strides = [1]} : vector<16xi32> to vector<1xi32>
      %squeeze3A_749 = vector.extract %slice3A_748[0] : i32 from vector<1xi32>
      %broadcast_in_dim3A_750 = vector.broadcast %squeeze3A_749 : i32 to vector<16xi32>
      %slice3A_751 = vector.extract_strided_slice %add3A_42 {offsets = [13], sizes = [1], strides = [1]} : vector<16xi32> to vector<1xi32>
      %squeeze3A_752 = vector.extract %slice3A_751[0] : i32 from vector<1xi32>
      %broadcast_in_dim3A_753 = vector.broadcast %squeeze3A_752 : i32 to vector<16xi32>
      %gather3A_754 = tpu.vector_load_idx %arg9[%iota3A, %broadcast_in_dim3A_750] : memref<32x1024xf32, #tpu.memory_space<vmem>>[vector<16xi32>, vector<16xi32>], vector<16xf32>,
      %add3A_755 = arith.constant 16 : i32
      %add3A_756 = vector.broadcast %add3A_755 : i32 to vector<16xi32>
      %add3A_757 = arith.addi %iota3A, %add3A_756 : vector<16xi32>
      %gather3A_758 = tpu.vector_load_idx %arg9[%add3A_757, %broadcast_in_dim3A_750] : memref<32x1024xf32, #tpu.memory_space<vmem>>[vector<16xi32>, vector<16xi32>], vector<16xf32>,
      %gather3A_759 = tpu.vector_load_idx %arg10[%iota3A, %broadcast_in_dim3A_753] : memref<32x1024xf32, #tpu.memory_space<vmem>>[vector<16xi32>, vector<16xi32>], vector<16xf32>,
      %add3A_760 = arith.constant 16 : i32
      %add3A_761 = vector.broadcast %add3A_760 : i32 to vector<16xi32>
      %add3A_762 = arith.addi %iota3A, %add3A_761 : vector<16xi32>
      %gather3A_763 = tpu.vector_load_idx %arg10[%add3A_762, %broadcast_in_dim3A_753] : memref<32x1024xf32, #tpu.memory_space<vmem>>[vector<16xi32>, vector<16xi32>], vector<16xf32>,
      %mul3A_764 = arith.mulf %gather3A_754, %gather3A_759 : vector<16xf32>
      %mul3A_765 = arith.mulf %gather3A_758, %gather3A_763 : vector<16xf32>
      %add3A_766 = arith.addf %mul3A_764, %mul3A_765 : vector<16xf32>
      %swap3A_767 = arith.constant 208 : index
      %swap3A_768 = tpu.vector_load %arg11[%swap3A_767] {strides = array<i32>} : memref<256xf32, #tpu.memory_space<vmem>>, vector<16xf32>,
      tpu.vector_store %arg11[%swap3A_767], %add3A_766 {strides = array<i32>} : memref<256xf32, #tpu.memory_space<vmem>>, vector<16xf32>,
      %slice3A_769 = vector.extract_strided_slice %add3A_32 {offsets = [14], sizes = [1], strides = [1]} : vector<16xi32> to vector<1xi32>
      %squeeze3A_770 = vector.extract %slice3A_769[0] : i32 from vector<1xi32>
      %broadcast_in_dim3A_771 = vector.broadcast %squeeze3A_770 : i32 to vector<16xi32>
      %slice3A_772 = vector.extract_strided_slice %add3A_42 {offsets = [14], sizes = [1], strides = [1]} : vector<16xi32> to vector<1xi32>
      %squeeze3A_773 = vector.extract %slice3A_772[0] : i32 from vector<1xi32>
      %broadcast_in_dim3A_774 = vector.broadcast %squeeze3A_773 : i32 to vector<16xi32>
      %gather3A_775 = tpu.vector_load_idx %arg9[%iota3A, %broadcast_in_dim3A_771] : memref<32x1024xf32, #tpu.memory_space<vmem>>[vector<16xi32>, vector<16xi32>], vector<16xf32>,
      %add3A_776 = arith.constant 16 : i32
      %add3A_777 = vector.broadcast %add3A_776 : i32 to vector<16xi32>
      %add3A_778 = arith.addi %iota3A, %add3A_777 : vector<16xi32>
      %gather3A_779 = tpu.vector_load_idx %arg9[%add3A_778, %broadcast_in_dim3A_771] : memref<32x1024xf32, #tpu.memory_space<vmem>>[vector<16xi32>, vector<16xi32>], vector<16xf32>,
      %gather3A_780 = tpu.vector_load_idx %arg10[%iota3A, %broadcast_in_dim3A_774] : memref<32x1024xf32, #tpu.memory_space<vmem>>[vector<16xi32>, vector<16xi32>], vector<16xf32>,
      %add3A_781 = arith.constant 16 : i32
      %add3A_782 = vector.broadcast %add3A_781 : i32 to vector<16xi32>
      %add3A_783 = arith.addi %iota3A, %add3A_782 : vector<16xi32>
      %gather3A_784 = tpu.vector_load_idx %arg10[%add3A_783, %broadcast_in_dim3A_774] : memref<32x1024xf32, #tpu.memory_space<vmem>>[vector<16xi32>, vector<16xi32>], vector<16xf32>,
      %mul3A_785 = arith.mulf %gather3A_775, %gather3A_780 : vector<16xf32>
      %mul3A_786 = arith.mulf %gather3A_779, %gather3A_784 : vector<16xf32>
      %add3A_787 = arith.addf %mul3A_785, %mul3A_786 : vector<16xf32>
      %swap3A_788 = arith.constant 224 : index
      %swap3A_789 = tpu.vector_load %arg11[%swap3A_788] {strides = array<i32>} : memref<256xf32, #tpu.memory_space<vmem>>, vector<16xf32>,
      tpu.vector_store %arg11[%swap3A_788], %add3A_787 {strides = array<i32>} : memref<256xf32, #tpu.memory_space<vmem>>, vector<16xf32>,
      %slice3A_790 = vector.extract_strided_slice %add3A_32 {offsets = [15], sizes = [1], strides = [1]} : vector<16xi32> to vector<1xi32>
      %squeeze3A_791 = vector.extract %slice3A_790[0] : i32 from vector<1xi32>
      %broadcast_in_dim3A_792 = vector.broadcast %squeeze3A_791 : i32 to vector<16xi32>
      %slice3A_793 = vector.extract_strided_slice %add3A_42 {offsets = [15], sizes = [1], strides = [1]} : vector<16xi32> to vector<1xi32>
      %squeeze3A_794 = vector.extract %slice3A_793[0] : i32 from vector<1xi32>
      %broadcast_in_dim3A_795 = vector.broadcast %squeeze3A_794 : i32 to vector<16xi32>
      %gather3A_796 = tpu.vector_load_idx %arg9[%iota3A, %broadcast_in_dim3A_792] : memref<32x1024xf32, #tpu.memory_space<vmem>>[vector<16xi32>, vector<16xi32>], vector<16xf32>,
      %add3A_797 = arith.constant 16 : i32
      %add3A_798 = vector.broadcast %add3A_797 : i32 to vector<16xi32>
      %add3A_799 = arith.addi %iota3A, %add3A_798 : vector<16xi32>
      %gather3A_800 = tpu.vector_load_idx %arg9[%add3A_799, %broadcast_in_dim3A_792] : memref<32x1024xf32, #tpu.memory_space<vmem>>[vector<16xi32>, vector<16xi32>], vector<16xf32>,
      %gather3A_801 = tpu.vector_load_idx %arg10[%iota3A, %broadcast_in_dim3A_795] : memref<32x1024xf32, #tpu.memory_space<vmem>>[vector<16xi32>, vector<16xi32>], vector<16xf32>,
      %add3A_802 = arith.constant 16 : i32
      %add3A_803 = vector.broadcast %add3A_802 : i32 to vector<16xi32>
      %add3A_804 = arith.addi %iota3A, %add3A_803 : vector<16xi32>
      %gather3A_805 = tpu.vector_load_idx %arg10[%add3A_804, %broadcast_in_dim3A_795] : memref<32x1024xf32, #tpu.memory_space<vmem>>[vector<16xi32>, vector<16xi32>], vector<16xf32>,
      %mul3A_806 = arith.mulf %gather3A_796, %gather3A_801 : vector<16xf32>
      %mul3A_807 = arith.mulf %gather3A_800, %gather3A_805 : vector<16xf32>
      %add3A_808 = arith.addf %mul3A_806, %mul3A_807 : vector<16xf32>
      %swap3A_809 = arith.constant 240 : index
      %swap3A_810 = tpu.vector_load %arg11[%swap3A_809] {strides = array<i32>} : memref<256xf32, #tpu.memory_space<vmem>>, vector<16xf32>,
      tpu.vector_store %arg11[%swap3A_809], %add3A_808 {strides = array<i32>} : memref<256xf32, #tpu.memory_space<vmem>>, vector<16xf32>,
      %broadcast_in_dim3A_811 = arith.constant 0.000000e+00 : f32
      %broadcast_in_dim3A_812 = vector.broadcast %broadcast_in_dim3A_811 : f32 to vector<16xf32>
      %mul3A_813 = arith.constant 16 : i32
      %mul3A_814 = vector.broadcast %mul3A_813 : i32 to vector<16xi32>
      %mul3A_815 = arith.muli %mul3A_814, %iota3A : vector<16xi32>
      %add3A_816 = arith.constant 0 : i32
      %add3A_817 = vector.broadcast %add3A_816 : i32 to vector<16xi32>
      %add3A_818 = arith.addi %mul3A_815, %add3A_817 : vector<16xi32>
      %gather3A_819 = tpu.vector_load_idx %arg11[%add3A_818] : memref<256xf32, #tpu.memory_space<vmem>>[vector<16xi32>], vector<16xf32>,
      %add3A_820 = arith.addf %broadcast_in_dim3A_812, %gather3A_819 : vector<16xf32>
      %add3A_821 = arith.constant 1 : i32
      %add3A_822 = vector.broadcast %add3A_821 : i32 to vector<16xi32>
      %add3A_823 = arith.addi %mul3A_815, %add3A_822 : vector<16xi32>
      %gather3A_824 = tpu.vector_load_idx %arg11[%add3A_823] : memref<256xf32, #tpu.memory_space<vmem>>[vector<16xi32>], vector<16xf32>,
      %add3A_825 = arith.addf %add3A_820, %gather3A_824 : vector<16xf32>
      %add3A_826 = arith.constant 2 : i32
      %add3A_827 = vector.broadcast %add3A_826 : i32 to vector<16xi32>
      %add3A_828 = arith.addi %mul3A_815, %add3A_827 : vector<16xi32>
      %gather3A_829 = tpu.vector_load_idx %arg11[%add3A_828] : memref<256xf32, #tpu.memory_space<vmem>>[vector<16xi32>], vector<16xf32>,
      %add3A_830 = arith.addf %add3A_825, %gather3A_829 : vector<16xf32>
      %add3A_831 = arith.constant 3 : i32
      %add3A_832 = vector.broadcast %add3A_831 : i32 to vector<16xi32>
      %add3A_833 = arith.addi %mul3A_815, %add3A_832 : vector<16xi32>
      %gather3A_834 = tpu.vector_load_idx %arg11[%add3A_833] : memref<256xf32, #tpu.memory_space<vmem>>[vector<16xi32>], vector<16xf32>,
      %add3A_835 = arith.addf %add3A_830, %gather3A_834 : vector<16xf32>
      %add3A_836 = arith.constant 4 : i32
      %add3A_837 = vector.broadcast %add3A_836 : i32 to vector<16xi32>
      %add3A_838 = arith.addi %mul3A_815, %add3A_837 : vector<16xi32>
      %gather3A_839 = tpu.vector_load_idx %arg11[%add3A_838] : memref<256xf32, #tpu.memory_space<vmem>>[vector<16xi32>], vector<16xf32>,
      %add3A_840 = arith.addf %add3A_835, %gather3A_839 : vector<16xf32>
      %add3A_841 = arith.constant 5 : i32
      %add3A_842 = vector.broadcast %add3A_841 : i32 to vector<16xi32>
      %add3A_843 = arith.addi %mul3A_815, %add3A_842 : vector<16xi32>
      %gather3A_844 = tpu.vector_load_idx %arg11[%add3A_843] : memref<256xf32, #tpu.memory_space<vmem>>[vector<16xi32>], vector<16xf32>,
      %add3A_845 = arith.addf %add3A_840, %gather3A_844 : vector<16xf32>
      %add3A_846 = arith.constant 6 : i32
      %add3A_847 = vector.broadcast %add3A_846 : i32 to vector<16xi32>
      %add3A_848 = arith.addi %mul3A_815, %add3A_847 : vector<16xi32>
      %gather3A_849 = tpu.vector_load_idx %arg11[%add3A_848] : memref<256xf32, #tpu.memory_space<vmem>>[vector<16xi32>], vector<16xf32>,
      %add3A_850 = arith.addf %add3A_845, %gather3A_849 : vector<16xf32>
      %add3A_851 = arith.constant 7 : i32
      %add3A_852 = vector.broadcast %add3A_851 : i32 to vector<16xi32>
      %add3A_853 = arith.addi %mul3A_815, %add3A_852 : vector<16xi32>
      %gather3A_854 = tpu.vector_load_idx %arg11[%add3A_853] : memref<256xf32, #tpu.memory_space<vmem>>[vector<16xi32>], vector<16xf32>,
      %add3A_855 = arith.addf %add3A_850, %gather3A_854 : vector<16xf32>
      %add3A_856 = arith.constant 8 : i32
      %add3A_857 = vector.broadcast %add3A_856 : i32 to vector<16xi32>
      %add3A_858 = arith.addi %mul3A_815, %add3A_857 : vector<16xi32>
      %gather3A_859 = tpu.vector_load_idx %arg11[%add3A_858] : memref<256xf32, #tpu.memory_space<vmem>>[vector<16xi32>], vector<16xf32>,
      %add3A_860 = arith.addf %add3A_855, %gather3A_859 : vector<16xf32>
      %add3A_861 = arith.constant 9 : i32
      %add3A_862 = vector.broadcast %add3A_861 : i32 to vector<16xi32>
      %add3A_863 = arith.addi %mul3A_815, %add3A_862 : vector<16xi32>
      %gather3A_864 = tpu.vector_load_idx %arg11[%add3A_863] : memref<256xf32, #tpu.memory_space<vmem>>[vector<16xi32>], vector<16xf32>,
      %add3A_865 = arith.addf %add3A_860, %gather3A_864 : vector<16xf32>
      %add3A_866 = arith.constant 10 : i32
      %add3A_867 = vector.broadcast %add3A_866 : i32 to vector<16xi32>
      %add3A_868 = arith.addi %mul3A_815, %add3A_867 : vector<16xi32>
      %gather3A_869 = tpu.vector_load_idx %arg11[%add3A_868] : memref<256xf32, #tpu.memory_space<vmem>>[vector<16xi32>], vector<16xf32>,
      %add3A_870 = arith.addf %add3A_865, %gather3A_869 : vector<16xf32>
      %add3A_871 = arith.constant 11 : i32
      %add3A_872 = vector.broadcast %add3A_871 : i32 to vector<16xi32>
      %add3A_873 = arith.addi %mul3A_815, %add3A_872 : vector<16xi32>
      %gather3A_874 = tpu.vector_load_idx %arg11[%add3A_873] : memref<256xf32, #tpu.memory_space<vmem>>[vector<16xi32>], vector<16xf32>,
      %add3A_875 = arith.addf %add3A_870, %gather3A_874 : vector<16xf32>
      %add3A_876 = arith.constant 12 : i32
      %add3A_877 = vector.broadcast %add3A_876 : i32 to vector<16xi32>
      %add3A_878 = arith.addi %mul3A_815, %add3A_877 : vector<16xi32>
      %gather3A_879 = tpu.vector_load_idx %arg11[%add3A_878] : memref<256xf32, #tpu.memory_space<vmem>>[vector<16xi32>], vector<16xf32>,
      %add3A_880 = arith.addf %add3A_875, %gather3A_879 : vector<16xf32>
      %add3A_881 = arith.constant 13 : i32
      %add3A_882 = vector.broadcast %add3A_881 : i32 to vector<16xi32>
      %add3A_883 = arith.addi %mul3A_815, %add3A_882 : vector<16xi32>
      %gather3A_884 = tpu.vector_load_idx %arg11[%add3A_883] : memref<256xf32, #tpu.memory_space<vmem>>[vector<16xi32>], vector<16xf32>,
      %add3A_885 = arith.addf %add3A_880, %gather3A_884 : vector<16xf32>
      %add3A_886 = arith.constant 14 : i32
      %add3A_887 = vector.broadcast %add3A_886 : i32 to vector<16xi32>
      %add3A_888 = arith.addi %mul3A_815, %add3A_887 : vector<16xi32>
      %gather3A_889 = tpu.vector_load_idx %arg11[%add3A_888] : memref<256xf32, #tpu.memory_space<vmem>>[vector<16xi32>], vector<16xf32>,
      %add3A_890 = arith.addf %add3A_885, %gather3A_889 : vector<16xf32>
      %add3A_891 = arith.constant 15 : i32
      %add3A_892 = vector.broadcast %add3A_891 : i32 to vector<16xi32>
      %add3A_893 = arith.addi %mul3A_815, %add3A_892 : vector<16xi32>
      %gather3A_894 = tpu.vector_load_idx %arg11[%add3A_893] : memref<256xf32, #tpu.memory_space<vmem>>[vector<16xi32>], vector<16xf32>,
      %add3A_895 = arith.addf %add3A_890, %gather3A_894 : vector<16xf32>
      %neg3A = arith.constant 0.000000e+00 : f32
      %neg3A_896 = vector.broadcast %neg3A : f32 to vector<16xf32>
      %neg3A_897 = arith.subf %neg3A_896, %add3A_895 : vector<16xf32>
      %exp3A = math.exp %neg3A_897 : vector<16xf32>
      %add3A_898 = arith.constant 1.000000e+00 : f32
      %add3A_899 = vector.broadcast %add3A_898 : f32 to vector<16xf32>
      %add3A_900 = arith.addf %add3A_899, %exp3A : vector<16xf32>
      %div3A = arith.constant 1.000000e+00 : f32
      %div3A_901 = vector.broadcast %div3A : f32 to vector<16xf32>
      %div3A_902 = arith.divf %div3A_901, %add3A_900 : vector<16xf32>
      %swap3A_903 = arith.index_cast %mul3A_10 : i32 to index
      %swap3A_904 = tpu.vector_load %arg12[%swap3A_903] {strides = array<i32>} : memref<512xf32, #tpu.memory_space<vmem>>, vector<16xf32>,
      tpu.vector_store %arg12[%swap3A_903], %div3A_902 {strides = array<i32>} : memref<512xf32, #tpu.memory_space<vmem>>, vector<16xf32>,
    }
    %scan3A_7 = arith.constant 32 : i32
    "tpu.region"() ({
      %run_scoped3A = tpu.sem_alloc : memref<!tpu.dma_semaphore, #tpu.memory_space<semaphore_mem>>
      %dma_start3A = tpu.memref_slice %arg6[%mul3A_2] : memref<16384xf32, #tpu.memory_space<hbm>> -> memref<512xf32, #tpu.memory_space<hbm>>
      %dma_start3A_8 = tpu.memref_slice %arg6[%mul3A_2] : memref<16384xf32, #tpu.memory_space<hbm>> -> memref<512xf32, #tpu.memory_space<hbm>>
      tpu.enqueue_dma source(%arg12 : memref<512xf32, #tpu.memory_space<vmem>>) target(%dma_start3A_8 : memref<512xf32, #tpu.memory_space<hbm>>) target_semaphore(%run_scoped3A : memref<!tpu.dma_semaphore, #tpu.memory_space<semaphore_mem>>)
      %dma_wait3A = tpu.memref_slice %arg6[%mul3A_2] : memref<16384xf32, #tpu.memory_space<hbm>> -> memref<512xf32, #tpu.memory_space<hbm>>
      %dma_wait3A_9 = tpu.memref_slice %arg6[%mul3A_2] : memref<16384xf32, #tpu.memory_space<hbm>> -> memref<512xf32, #tpu.memory_space<hbm>>
      tpu.wait_dma2 semaphore(%run_scoped3A : memref<!tpu.dma_semaphore, #tpu.memory_space<semaphore_mem>>) src(%arg12 : memref<512xf32, #tpu.memory_space<vmem>>) dst(%dma_wait3A_9 : memref<512xf32, #tpu.memory_space<hbm>>)
      tpu.yield
    }) : () -> ()
    return
  }
}

</mosaic_0001>

<sc_bundles>
// kernel: kernel.3.cloned.1.call-start
scs
__scs_entry_jumppad:
0x0: {  	(pc) =	sbr.rel $0x88, $3  }
0x1: {  	(tag) =	ssettag $0x0;
	lr =	simm.s32 $0x1  }
0x2: {  	[smem:$0x3F9E] =	sst lr;
	_ =	strace $0xD0000000  }
0x3: {  	_ = 	snop  }
0x4: {  	_ = 	snop  }
0x5: {  	_ = 	snop  }
0x6: {  	_ = 	snop  }
0x7: {  	_ = 	snop  }
__scs_overlays_trampoline_lowered:
0x8: {  	[smem:$0x3FAD] =	sst s0  }
0x9: {  	[smem:$0x3FAE] =	sst s1  }
0xa: {  	[smem:$0x3FAF] =	sst s2  }
0xb: {  	[smem:$0x3FB0] =	sst s3  }
0xc: {  	[smem:$0x3FB1] =	sst s4  }
0xd: {  	[smem:$0x3FB2] =	sst s5  }
0xe: {  	[smem:$0x3FB3] =	sst s6  }
0xf: {  	[smem:$0x3FB4] =	sst s7  }
0x10: {  	[smem:$0x3FB5] =	sst s8  }
0x11: {  	[smem:$0x3FB6] =	sst s9;
	s0 =	simm.s32 @!p0 $0x0  }
0x12: {  	s1 =	sld [smem:$0x3F9C];
	s0 =	simm.s32 @p0 $0x1  }
0x13: {  	[smem:$0x3FB7] =	sst s0;
	s0 =	simm.s32 @!p1 $0x0  }
0x14: {  	s2 =	sld [smem:$0x3F9B];
	s0 =	simm.s32 @p1 $0x1  }
0x15: {  	[smem:$0x3FB8] =	sst s0;
	s0 =	simm.s32 @!p2 $0x0  }
0x16: {  	s3 =	sld [smem:$0x3FDB];
	s0 =	simm.s32 @p2 $0x1  }
0x17: {  	s4 =	simm.s32 $0x1BF5;
	[smem:$0x3FBA] =	sst s0  }
0x18: {  	s0 =	sld [smem:$0x3F9D];
	_ =	swait.ge [sflag:s4], $0x0  }
0x19: {  	s7 =	sld [smem:$0x3F9E]  }
0x1a: {  	s8 =	sadd.s32 $0xFFFFE003, lr  }
0x1b: {  	s9 =	sadd.s32 $0xFFFFFEF7, lr;
	s5 =	simm.s32 $0xFFFFFFFF;
	p2 =	slt.u32 s8, $0xFFFFF086  }
0x1c: {  	p1 =	slt.u32 s9, $0xF7A;
	s5 =	simm.s32 @!p2 $0x0  }
0x1d: {  	s5 =	simm.s32 @p1 $0x1;
	p0 =	seq.s32 s7, s2  }
0x1e: {  	s7 =	smul.u32 @!p0 $0xF7A, s2;
	p2 =	seq.s32 @!p0 s5, $0x0  }
0x1f: {  	s9 =	smul.u32 $0xF7A, s1;
	s8 =	simm.s32 @!p0 $0x1BF5;
	p2 =	por !p2, p0  }
0x20: {  	[sflag:s8] =	ssyncset.s32 @!p0 $0xFFFFF086;
	s6 =	sadd.s32 @!p0 s3, s7;
	s7 =	simm.s32 @!p0 $0x108  }
0x21: {  	s3 =	sadd.s32 s3, s9;
	s6 =	sadd.s32 @!p0 $0x88, s6;
	s7 =	simm.s32 @p2 $0x1082  }
0x22: {  	[simem:s7], [sflag:s8] =	dma.local @!p0 [hbm:s6], $0xF7A  }
0x23: {  	s9 =	sor.u32 $0xD0000000, s2;
	s6 =	simm.s32 $0x108;
	_ =	swait.ge @!p0 [sflag:s8], $0x0  }
0x24: {  	s3 =	sadd.s32 $0x88, s3;
	s6 =	simm.s32 @!p1 $0x1082;
	[sflag:s4] =	ssyncset.s32 $0xFFFFF086  }
0x25: {  	[simem:s6], [sflag:s4] =	dma.local [hbm:s3], $0xF7A  }
0x26: {  	[smem:$0x3F9E] =	sst s1;
	(tag) =	ssettag s2;
	_ =	strace s9  }
0x27: {  	s1 =	sld [smem:$0x3FAE]  }
0x28: {  	s2 =	sld [smem:$0x3FAF]  }
0x29: {  	s4 =	sld [smem:$0x3FB1]  }
0x2a: {  	p0 =	seq.s32 s5, $0x0;
	s5 =	sld [smem:$0x3FB2]  }
0x2b: {  	s6 =	sld [smem:$0x3FB3]  }
0x2c: {  	s7 =	sld [smem:$0x3FB4]  }
0x2d: {  	s3 =	simm.s32 $0x108;
	s8 =	sld [smem:$0x3FB5]  }
0x2e: {  	s3 =	simm.s32 @!p0 $0x1082;
	s9 =	sld [smem:$0x3FB6]  }
0x2f: {  	lr =	sadd.s32 s0, s3;
	s0 =	sld [smem:$0x3FAD]  }
0x30: {  	s3 =	sld [smem:$0x3FB0]  }
0x31: {  	[smem:$0x3FB9] =	sst s10  }
0x32: {  	s10 =	sld [smem:$0x3FB7];
	_ =	sdelay $0x3  }
0x33: {  	p0 =	seq.s32 s10, $0x1;
	s10 =	sld [smem:$0x3FB9];
	_ =	sdelay $0x3  }
0x34: {  	[smem:$0x3FB9] =	sst s10  }
0x35: {  	s10 =	sld [smem:$0x3FB8];
	_ =	sdelay $0x3  }
0x36: {  	p1 =	seq.s32 s10, $0x1;
	s10 =	sld [smem:$0x3FB9];
	_ =	sdelay $0x3  }
0x37: {  	[smem:$0x3FB9] =	sst s10  }
0x38: {  	s10 =	sld [smem:$0x3FBA]  }
0x39: {  	_ = 	snop;
	(pc) =	sbr.ind lr, $3  }
0x3a: {  	_ = 	snop  }
0x3b: {  	_ = 	snop  }
0x3c: {  	p2 =	seq.s32 s10, $0x1;
	s10 =	sld [smem:$0x3FB9]  }
0x3d: {  	_ =	shalt  }
0x3e: {  	_ =	shalt  }
0x3f: {  	_ =	shalt  }
0x40: {  	_ =	shalt  }
0x41: {  	_ =	shalt  }
0x42: {  	_ =	shalt  }
0x43: {  	_ =	shalt  }
0x44: {  	_ =	shalt  }
0x45: {  	_ =	shalt  }
0x46: {  	_ =	shalt  }
0x47: {  	_ =	shalt  }
0x48: {  	_ =	shalt  }
0x49: {  	_ =	shalt  }
0x4a: {  	_ =	shalt  }
0x4b: {  	_ =	shalt  }
0x4c: {  	_ =	shalt  }
0x4d: {  	_ =	shalt  }
0x4e: {  	_ =	shalt  }
0x4f: {  	_ =	shalt  }
0x50: {  	_ =	shalt  }
0x51: {  	_ =	shalt  }
0x52: {  	_ =	shalt  }
0x53: {  	_ =	shalt  }
0x54: {  	_ =	shalt  }
0x55: {  	_ =	shalt  }
0x56: {  	_ =	shalt  }
0x57: {  	_ =	shalt  }
0x58: {  	_ =	shalt  }
0x59: {  	_ =	shalt  }
0x5a: {  	_ =	shalt  }
0x5b: {  	_ =	shalt  }
0x5c: {  	_ =	shalt  }
0x5d: {  	_ =	shalt  }
0x5e: {  	_ =	shalt  }
0x5f: {  	_ =	shalt  }
0x60: {  	_ =	shalt  }
0x61: {  	_ =	shalt  }
0x62: {  	_ =	shalt  }
0x63: {  	_ =	shalt  }
0x64: {  	_ =	shalt  }
0x65: {  	_ =	shalt  }
0x66: {  	_ =	shalt  }
0x67: {  	_ =	shalt  }
0x68: {  	_ =	shalt  }
0x69: {  	_ =	shalt  }
0x6a: {  	_ =	shalt  }
0x6b: {  	_ =	shalt  }
0x6c: {  	_ =	shalt  }
0x6d: {  	_ =	shalt  }
0x6e: {  	_ =	shalt  }
0x6f: {  	_ =	shalt  }
0x70: {  	_ =	shalt  }
0x71: {  	_ =	shalt  }
0x72: {  	_ =	shalt  }
0x73: {  	_ =	shalt  }
0x74: {  	_ =	shalt  }
0x75: {  	_ =	shalt  }
0x76: {  	_ =	shalt  }
0x77: {  	_ =	shalt  }
0x78: {  	_ =	shalt  }
0x79: {  	_ =	shalt  }
0x7a: {  	_ =	shalt  }
0x7b: {  	_ =	shalt  }
0x7c: {  	_ =	shalt  }
0x7d: {  	_ =	shalt  }
0x7e: {  	_ =	shalt  }
0x7f: {  	_ =	shalt  }
0x80: {  	_ =	shalt  }
0x81: {  	_ =	shalt  }
0x82: {  	_ =	shalt  }
0x83: {  	_ =	shalt  }
0x84: {  	_ =	shalt  }
0x85: {  	_ =	shalt  }
0x86: {  	_ =	shalt  }
0x87: {  	_ =	shalt  }
.Lfunc_end0:
.L_simem_size_0:
called_computation_lowered:
.L_overlay_start_0:
0x88: {  	s2 =	sld [smem:$0x3FD9]  }
0x89: {  	s3 =	sld [smem:$0x3FFE];
	_ =	sdelay $0x1  }
0x8a: {  	s1 =	srdreg.scid  }
0x8b: {  	s0 =	sand.u32 $0x1, s1  }
0x8c: {  	s17 =	sshll.u32 s0, $0xA;
	s2 =	sadd.s32 s3, s2  }
0x8d: {  	s2 =	sadd.s32 s2, s17  }
0x8e: {  	[smem:$0x3FC5] =	sst s2  }
0x8f: {  	_ = 	snop  }
0x90: {  	s2 =	sld [smem:$0x3FC8]  }
0x91: {  	s18 =	sld [smem:$0x3FC7]  }
0x92: {  	s4 =	sld [smem:$0x3FD0];
	(tm) =	ssettm $0x1  }
0x93: {  	s5 =	sld [smem:$0x3FFB];
	_ =	sdelay $0x3  }
0x94: {  	_ =	strace s5  }
0x95: {  	s5 =	sld [smem:$0x3FFC];
	_ =	sdelay $0x3  }
0x96: {  	_ =	strace s5  }
0x97: {  	s5 =	sld [smem:$0x3FFD];
	_ =	sdelay $0x3  }
0x98: {  	_ =	strace s5  }
0x99: {  	_ =	strace $0x8FFFFFFF  }
0x9a: {  	s19 =	sld [smem:$0x3FDB];
	_ =	sdelay $0x1  }
0x9b: {  	s6 =	simm.s32 $_scs_section_size  }
0x9c: {  	s7 =	simm.s32 $_size__tile_overlayer_lowered;
	s8 =	simm.s32 $_tile_overlayer_lowered  }
0x9d: {  	s22 =	simm.s32 $0x1BFF;
	s21 =	sshll.u32 s8, $0x1;
	s5 =	sadd.s32 s6, s19  }
0x9e: {  	s9 =	simm.s32 $0x0;
	s20 =	sshll.u32 s7, $0x1;
	s7 =	sadd.s32 s21, s5  }
0x9f: {  	[timem:s9], [sflag:s22] =	dma.local [hbm:s7], s20  }
0xa0: {  	_ =	swait.ge [sflag:s22], s20  }
0xa1: {  	s6 =	ssub.s32 $0x0, s20;
	[sflag:s22] =	ssyncset.done $0x0  }
0xa2: {  	[sflag:s22] =	ssyncadd.s32 s6;
	_ =	sdelay $0x1  }
0xa3: {  	s23 =	simm.s32 $0x1B8B  }
0xa4: {  	_ =	swait.ge [sflag:s23], $0x1  }
0xa5: {  	[sflag:s23] =	ssyncset.done $0x0  }
0xa6: {  	s25 =	simm.s32 $0x1B8E;
	s24 =	sld [smem:$0x3FFE];
	[sflag:s23] =	ssyncadd.s32 $0xFFFFFFFF  }
0xa7: {  	s26 =	simm.s32 $execute0_lowered;
	[smem:$0x3FD2] =	sst s25  }
0xa8: {  	s7 =	sshll.u32 s26, $0x1;
	_ =	strace $0x80000046;
	[dreg:$0x1] =	wrdreg $0xFFFFFFFF  }
0xa9: {  	s28 =	simm.s32 $_size_execute0_lowered;
	s5 =	sadd.s32 s5, s7;
	[dreg:$0x0] =	wrdreg $0x0  }
0xaa: {  	s7 =	sshll.u32 s28, $0x1;
	[dreg:$0x2] =	wrdreg s5  }
0xab: {  	[dreg:$0x3] =	wrdreg s7  }
0xac: {  	[dreg:$0x4] =	wrdreg $0xC0  }
0xad: {  	_ =	task [dreg:s9], $0x5FFFF  }
0xae: {  	[dreg:$0x1] =	wrdreg $0xFFFFFFFF  }
0xaf: {  	[dreg:$0x0] =	wrdreg $0x60  }
0xb0: {  	[dreg:$0x2] =	wrdreg s24  }
0xb1: {  	[dreg:$0x3] =	wrdreg s2  }
0xb2: {  	[dreg:$0x4] =	wrdreg s18  }
0xb3: {  	[dreg:$0x5] =	wrdreg s4  }
0xb4: {  	[dreg:$0x6] =	wrdreg $0x9  }
0xb5: {  	_ =	task.clear_ibuf [dreg:s9], $0x7FFFF;
	_ =	strace $0x90000046  }
0xb6: {  	s29 =	simm.s32 $0x9;
	_ =	strace $0x80000048  }
0xb7: {  	_ =	swait.ge [sflag:s29], $0x1  }
0xb8: {  	[sflag:s29] =	ssyncadd.s32 $0xFFFFFFFF  }
0xb9: {  	_ =	strace $0x90000048  }
0xba: {  	_ =	sfence  }
0xbb: {  	s30 =	sld [smem:$0x0];
	_ =	sdelay $0x2  }
0xbc: {  	s31 =	sshll.u32 s1, $0xD;
	s1 =	sshrl.u32 s1, $0x2  }
0xbd: {  	s3 =	sand.u32 $0x4000, s31;
	s1 =	sadd.s32 s1, s30  }
0xbe: {  	s0 =	sor.u32 s3, s0;
	s1 =	sshll.u32 s1, $0x11  }
0xbf: {  	s0 =	sor.u32 s1, s0  }
0xc0: {  	s0 =	sadd.s32 $0x8F2B, s0  }
0xc1: {  	[sflag:s0] =	ssyncadd.remote.s32 $0x1  }
0xc2: {  	_ =	sfence.sel $0xFFFF  }
0xc3: {  	[dreg:$0x0] =	wrdreg $0xFFFFFFFF;
	(pc) =	sbr.abs _section_cstart, $3  }
0xc4: {  	[dreg:$0x1] =	wrdreg $0xFFFFFFFF  }
0xc5: {  	_ =	task.clear_ibuf [dreg:s9], $0x2FFFF;
	_ =	strace $0x9FFFFFFF  }
0xc6: {  	(tm) =	ssettm $0x7FFFFFFF  }
0xc7: {  	_ =	shalt  }
tec
execute0_lowered:
.L_overlay_start_1:
0x0: {  	(tag) =	ssettag $0x1  }
0x1: {  	v0 =	vimm.s32 $0x2380;
	vm14 =	vcmask $0x300;
	vm13 =	vcmask $0x704  }
0x2: {  	vm12 =	vcmask $0xB08;
	vm11 =	vcmask $0xF0C;
	vm10 =	vcmask $0x1310  }
0x3: {  	vm9 =	vcmask $0x1714;
	vm8 =	vcmask $0x1B18;
	vm7 =	vcmask $0x1F1C  }
0x4: {  	vm6 =	vcmask $0x2320;
	vm5 =	vcmask $0x2724;
	vm4 =	vcmask $0x2B28  }
0x5: {  	vm3 =	vcmask $0x2F2C;
	vm2 =	vcmask $0x3330;
	vm1 =	vcmask $0x3734  }
0x6: {  	vm0 =	vcmask $0x3B38;
	v1 =	vimm.s32 $0x6380;
	v2 =	vimm.s32 $0x2780  }
0x7: {  	v3 =	vimm.s32 $0x6780;
	v4 =	vimm.s32 $0x2B80;
	v5 =	vimm.s32 $0x6B80  }
0x8: {  	v6 =	vimm.s32 $0x2F80;
	v7 =	vimm.s32 $0x6F80;
	v8 =	vimm.s32 $0x3380  }
0x9: {  	v9 =	vimm.s32 $0x7380;
	v10 =	vimm.s32 $0x3780;
	v11 =	vimm.s32 $0x7780  }
0xa: {  	v12 =	vimm.s32 $0x3B80;
	v13 =	vimm.s32 $0x7B80;
	v14 =	vimm.s32 $0x3F80  }
0xb: {  	v15 =	vimm.s32 $0x7F80;
	v0 =	vsel vm14, $0x0, v0;
	v1 =	vsel vm14, $0x4000, v1  }
0xc: {  	v2 =	vsel vm14, $0x400, v2;
	v3 =	vsel vm14, $0x4400, v3;
	v4 =	vsel vm14, $0x800, v4  }
0xd: {  	v5 =	vsel vm14, $0x4800, v5;
	v6 =	vsel vm14, $0xC00, v6;
	v7 =	vsel vm14, $0x4C00, v7  }
0xe: {  	v8 =	vsel vm14, $0x1000, v8;
	v9 =	vsel vm14, $0x5000, v9;
	v10 =	vsel vm14, $0x1400, v10  }
0xf: {  	v11 =	vsel vm14, $0x5400, v11;
	v12 =	vsel vm14, $0x1800, v12;
	v13 =	vsel vm14, $0x5800, v13  }
0x10: {  	v14 =	vsel vm14, $0x1C00, v14;
	v15 =	vsel vm14, $0x5C00, v15;
	v0 =	vsel vm13, $0x80, v0  }
0x11: {  	v1 =	vsel vm13, $0x4080, v1;
	v2 =	vsel vm13, $0x480, v2;
	v3 =	vsel vm13, $0x4480, v3  }
0x12: {  	v4 =	vsel vm13, $0x880, v4;
	v5 =	vsel vm13, $0x4880, v5;
	v6 =	vsel vm13, $0xC80, v6  }
0x13: {  	v7 =	vsel vm13, $0x4C80, v7;
	v8 =	vsel vm13, $0x1080, v8;
	v9 =	vsel vm13, $0x5080, v9  }
0x14: {  	v10 =	vsel vm13, $0x1480, v10;
	v11 =	vsel vm13, $0x5480, v11;
	v12 =	vsel vm13, $0x1880, v12  }
0x15: {  	v13 =	vsel vm13, $0x5880, v13;
	v14 =	vsel vm13, $0x1C80, v14;
	v15 =	vsel vm13, $0x5C80, v15  }
0x16: {  	v0 =	vsel vm12, $0x100, v0;
	v1 =	vsel vm12, $0x4100, v1;
	v2 =	vsel vm12, $0x500, v2  }
0x17: {  	v3 =	vsel vm12, $0x4500, v3;
	v4 =	vsel vm12, $0x900, v4;
	v5 =	vsel vm12, $0x4900, v5  }
0x18: {  	v6 =	vsel vm12, $0xD00, v6;
	v7 =	vsel vm12, $0x4D00, v7;
	v8 =	vsel vm12, $0x1100, v8  }
0x19: {  	v9 =	vsel vm12, $0x5100, v9;
	v10 =	vsel vm12, $0x1500, v10;
	v11 =	vsel vm12, $0x5500, v11  }
0x1a: {  	v12 =	vsel vm12, $0x1900, v12;
	v13 =	vsel vm12, $0x5900, v13;
	v14 =	vsel vm12, $0x1D00, v14  }
0x1b: {  	v15 =	vsel vm12, $0x5D00, v15;
	v0 =	vsel vm11, $0x180, v0;
	v1 =	vsel vm11, $0x4180, v1  }
0x1c: {  	v2 =	vsel vm11, $0x580, v2;
	v3 =	vsel vm11, $0x4580, v3;
	v4 =	vsel vm11, $0x980, v4  }
0x1d: {  	v5 =	vsel vm11, $0x4980, v5;
	v6 =	vsel vm11, $0xD80, v6;
	v7 =	vsel vm11, $0x4D80, v7  }
0x1e: {  	v8 =	vsel vm11, $0x1180, v8;
	v9 =	vsel vm11, $0x5180, v9;
	v10 =	vsel vm11, $0x1580, v10  }
0x1f: {  	v11 =	vsel vm11, $0x5580, v11;
	v12 =	vsel vm11, $0x1980, v12;
	v13 =	vsel vm11, $0x5980, v13  }
0x20: {  	v14 =	vsel vm11, $0x1D80, v14;
	v15 =	vsel vm11, $0x5D80, v15;
	v0 =	vsel vm10, $0x200, v0  }
0x21: {  	v1 =	vsel vm10, $0x4200, v1;
	v2 =	vsel vm10, $0x600, v2;
	v3 =	vsel vm10, $0x4600, v3  }
0x22: {  	v4 =	vsel vm10, $0xA00, v4;
	v5 =	vsel vm10, $0x4A00, v5;
	v6 =	vsel vm10, $0xE00, v6  }
0x23: {  	v7 =	vsel vm10, $0x4E00, v7;
	v8 =	vsel vm10, $0x1200, v8;
	v9 =	vsel vm10, $0x5200, v9  }
0x24: {  	v10 =	vsel vm10, $0x1600, v10;
	v11 =	vsel vm10, $0x5600, v11;
	v12 =	vsel vm10, $0x1A00, v12  }
0x25: {  	v13 =	vsel vm10, $0x5A00, v13;
	v14 =	vsel vm10, $0x1E00, v14;
	v15 =	vsel vm10, $0x5E00, v15  }
0x26: {  	v0 =	vsel vm9, $0x280, v0;
	v1 =	vsel vm9, $0x4280, v1;
	v2 =	vsel vm9, $0x680, v2  }
0x27: {  	v3 =	vsel vm9, $0x4680, v3;
	v4 =	vsel vm9, $0xA80, v4;
	v5 =	vsel vm9, $0x4A80, v5  }
0x28: {  	v6 =	vsel vm9, $0xE80, v6;
	v7 =	vsel vm9, $0x4E80, v7;
	v8 =	vsel vm9, $0x1280, v8  }
0x29: {  	v9 =	vsel vm9, $0x5280, v9;
	v10 =	vsel vm9, $0x1680, v10;
	v11 =	vsel vm9, $0x5680, v11  }
0x2a: {  	v12 =	vsel vm9, $0x1A80, v12;
	v13 =	vsel vm9, $0x5A80, v13;
	v14 =	vsel vm9, $0x1E80, v14  }
0x2b: {  	v15 =	vsel vm9, $0x5E80, v15;
	v0 =	vsel vm8, $0x300, v0;
	v1 =	vsel vm8, $0x4300, v1  }
0x2c: {  	v2 =	vsel vm8, $0x700, v2;
	v3 =	vsel vm8, $0x4700, v3;
	v4 =	vsel vm8, $0xB00, v4  }
0x2d: {  	v5 =	vsel vm8, $0x4B00, v5;
	v6 =	vsel vm8, $0xF00, v6;
	v7 =	vsel vm8, $0x4F00, v7  }
0x2e: {  	v8 =	vsel vm8, $0x1300, v8;
	v9 =	vsel vm8, $0x5300, v9;
	v10 =	vsel vm8, $0x1700, v10  }
0x2f: {  	v11 =	vsel vm8, $0x5700, v11;
	v12 =	vsel vm8, $0x1B00, v12;
	v13 =	vsel vm8, $0x5B00, v13  }
0x30: {  	v14 =	vsel vm8, $0x1F00, v14;
	v15 =	vsel vm8, $0x5F00, v15;
	v0 =	vsel vm7, $0x380, v0  }
0x31: {  	v1 =	vsel vm7, $0x4380, v1;
	v2 =	vsel vm7, $0x780, v2;
	v3 =	vsel vm7, $0x4780, v3  }
0x32: {  	v4 =	vsel vm7, $0xB80, v4;
	v5 =	vsel vm7, $0x4B80, v5;
	v6 =	vsel vm7, $0xF80, v6  }
0x33: {  	v7 =	vsel vm7, $0x4F80, v7;
	v8 =	vsel vm7, $0x1380, v8;
	v9 =	vsel vm7, $0x5380, v9  }
0x34: {  	v10 =	vsel vm7, $0x1780, v10;
	v11 =	vsel vm7, $0x5780, v11;
	v12 =	vsel vm7, $0x1B80, v12  }
0x35: {  	v13 =	vsel vm7, $0x5B80, v13;
	v14 =	vsel vm7, $0x1F80, v14;
	v15 =	vsel vm7, $0x5F80, v15  }
0x36: {  	v0 =	vsel vm6, $0x2000, v0;
	v1 =	vsel vm6, $0x6000, v1;
	v2 =	vsel vm6, $0x2400, v2  }
0x37: {  	v3 =	vsel vm6, $0x6400, v3;
	v4 =	vsel vm6, $0x2800, v4;
	v5 =	vsel vm6, $0x6800, v5  }
0x38: {  	v6 =	vsel vm6, $0x2C00, v6;
	v7 =	vsel vm6, $0x6C00, v7;
	v8 =	vsel vm6, $0x3000, v8  }
0x39: {  	v9 =	vsel vm6, $0x7000, v9;
	v10 =	vsel vm6, $0x3400, v10;
	v11 =	vsel vm6, $0x7400, v11  }
0x3a: {  	v12 =	vsel vm6, $0x3800, v12;
	v13 =	vsel vm6, $0x7800, v13;
	v14 =	vsel vm6, $0x3C00, v14  }
0x3b: {  	v15 =	vsel vm6, $0x7C00, v15;
	v0 =	vsel vm5, $0x2080, v0;
	v1 =	vsel vm5, $0x6080, v1  }
0x3c: {  	v2 =	vsel vm5, $0x2480, v2;
	v3 =	vsel vm5, $0x6480, v3;
	v4 =	vsel vm5, $0x2880, v4  }
0x3d: {  	v5 =	vsel vm5, $0x6880, v5;
	v6 =	vsel vm5, $0x2C80, v6;
	v7 =	vsel vm5, $0x6C80, v7  }
0x3e: {  	v8 =	vsel vm5, $0x3080, v8;
	v9 =	vsel vm5, $0x7080, v9;
	v10 =	vsel vm5, $0x3480, v10  }
0x3f: {  	v11 =	vsel vm5, $0x7480, v11;
	v12 =	vsel vm5, $0x3880, v12;
	v13 =	vsel vm5, $0x7880, v13  }
0x40: {  	v14 =	vsel vm5, $0x3C80, v14;
	v15 =	vsel vm5, $0x7C80, v15;
	v0 =	vsel vm4, $0x2100, v0  }
0x41: {  	v1 =	vsel vm4, $0x6100, v1;
	v2 =	vsel vm4, $0x2500, v2;
	v3 =	vsel vm4, $0x6500, v3  }
0x42: {  	v4 =	vsel vm4, $0x2900, v4;
	v5 =	vsel vm4, $0x6900, v5;
	v6 =	vsel vm4, $0x2D00, v6  }
0x43: {  	v7 =	vsel vm4, $0x6D00, v7;
	v8 =	vsel vm4, $0x3100, v8;
	v9 =	vsel vm4, $0x7100, v9  }
0x44: {  	v10 =	vsel vm4, $0x3500, v10;
	v11 =	vsel vm4, $0x7500, v11;
	v12 =	vsel vm4, $0x3900, v12  }
0x45: {  	v13 =	vsel vm4, $0x7900, v13;
	v14 =	vsel vm4, $0x3D00, v14;
	v15 =	vsel vm4, $0x7D00, v15  }
0x46: {  	v0 =	vsel vm3, $0x2180, v0;
	v1 =	vsel vm3, $0x6180, v1;
	v2 =	vsel vm3, $0x2580, v2  }
0x47: {  	v3 =	vsel vm3, $0x6580, v3;
	v4 =	vsel vm3, $0x2980, v4;
	v5 =	vsel vm3, $0x6980, v5  }
0x48: {  	v6 =	vsel vm3, $0x2D80, v6;
	v7 =	vsel vm3, $0x6D80, v7;
	v8 =	vsel vm3, $0x3180, v8  }
0x49: {  	v9 =	vsel vm3, $0x7180, v9;
	v10 =	vsel vm3, $0x3580, v10;
	v11 =	vsel vm3, $0x7580, v11  }
0x4a: {  	v12 =	vsel vm3, $0x3980, v12;
	v13 =	vsel vm3, $0x7980, v13;
	v0 =	vsel vm2, $0x2200, v0  }
0x4b: {  	v1 =	vsel vm2, $0x6200, v1;
	v2 =	vsel vm2, $0x2600, v2;
	v3 =	vsel vm2, $0x6600, v3  }
0x4c: {  	v4 =	vsel vm2, $0x2A00, v4;
	v5 =	vsel vm2, $0x6A00, v5;
	v6 =	vsel vm2, $0x2E00, v6  }
0x4d: {  	v7 =	vsel vm2, $0x6E00, v7;
	v8 =	vsel vm2, $0x3200, v8;
	v9 =	vsel vm2, $0x7200, v9  }
0x4e: {  	s0 =	rddreg [dreg:$0x0];
	v10 =	vsel vm2, $0x3600, v10;
	v11 =	vsel vm2, $0x7600, v11;
	v12 =	vsel vm2, $0x3A00, v12  }
0x4f: {  	s1 =	rddreg [dreg:$0x1];
	v13 =	vsel vm2, $0x7A00, v13;
	v0 =	vsel vm1, $0x2280, v0;
	v1 =	vsel vm1, $0x6280, v1  }
0x50: {  	s21 =	rddreg [dreg:$0x2];
	v2 =	vsel vm1, $0x2680, v2;
	v3 =	vsel vm1, $0x6680, v3;
	v4 =	vsel vm1, $0x2A80, v4  }
0x51: {  	s22 =	rddreg [dreg:$0x3];
	s3 =	srdreg.scid;
	s2 =	simm.s32 $0x0;
	v5 =	vsel vm1, $0x6A80, v5;
	v6 =	vsel vm1, $0x2E80, v6;
	v7 =	vsel vm1, $0x6E80, v7  }
0x52: {  	s4 =	stileid.u32;
	s9 =	simm.s32 $0x400;
	s13 =	simm.s32 $0x8400;
	v8 =	vsel vm1, $0x3280, v8;
	v9 =	vsel vm1, $0x7280, v9;
	v10 =	vsel vm1, $0x3680, v10  }
0x53: {  	s19 =	simm.s32 $0x10400;
	s16 =	simm.s32 $0x2400;
	s28 =	simm.s32 $0xC400;
	v11 =	vsel vm1, $0x7680, v11;
	v12 =	vsel vm1, $0x3A80, v12;
	v16 =	vsel vm1, $0x7A80, v13  }
0x54: {  	s29 =	simm.s32 $0xE400;
	s30 =	simm.s32 $0x800;
	s31 =	simm.s32 $0x2800;
	v13 =	vsel vm3, $0x3D80, v14;
	v14 =	vsel vm3, $0x7D80, v15;
	v15 =	vlaneseq.u32  }
0x55: {  	s8 =	simm.s32 $0x8800;
	s6 =	simm.s32 $0xC00;
	s7 =	simm.s32 $0x2C00;
	v0 =	vsel vm0, $0x2300, v0;
	v1 =	vsel vm0, $0x6300, v1;
	v2 =	vsel vm0, $0x2700, v2  }
0x56: {  	s10 =	simm.s32 $0x4C00;
	s11 =	simm.s32 $0x6C00;
	[dreg:$0x5] =	wrdreg s1;
	v3 =	vsel vm0, $0x6700, v3;
	v4 =	vsel vm0, $0x2B00, v4;
	v5 =	vsel vm0, $0x6B00, v5  }
0x57: {  	s12 =	simm.s32 $0x8C00;
	s18 =	simm.s32 $0xCC00;
	[dreg:$0x6] =	wrdreg s21;
	v6 =	vsel vm0, $0x2F00, v6;
	v7 =	vsel vm0, $0x6F00, v7;
	v8 =	vsel vm0, $0x3300, v8  }
0x58: {  	s3 =	sand.u32 $0x1, s3;
	s4 =	sshll.u32 s4, $0x7;
	[smem:$0x7FF] =	sst s2;
	v9 =	vsel vm0, $0x7300, v9;
	v10 =	vsel vm0, $0x3700, v10;
	v11 =	vsel vm0, $0x7700, v11  }
0x59: {  	s21 =	simm.s32 $0x3;
	s1 =	simm.s32 $0x6800;
	s5 =	sshll.u32 s3, $0x6;
	v12 =	vsel vm0, $0x3B00, v12;
	v13 =	vsel vm2, $0x3E00, v13;
	v14 =	vsel vm2, $0x7E00, v14  }
0x5a: {  	s3 =	ssub.s32 $0x2, s3;
	_ =	strace $0x80000047;
	s4 =	sor.u32 s5, s4;
	v17 =	vsel vm1, $0x3E80, v13;
	v18 =	vsel vm1, $0x7E80, v14;
	v13 =	vmul.u32 $0x10, v15  }
0x5b: {  	s23 =	sshrl.u32 s3, $0x1;
	s0 =	sadd.s32 s4, s0;
	s25 =	sadd.s32 s22, s4;
	v14 =	vsel vm0, $0x7B00, v16;
	v15 =	vsel vm0, $0x3F00, v17;
	v16 =	vsel vm0, $0x7F00, v18  }
0x5c: {  	s5 =	simm.s32 $0xE800;
	s24 =	sadd.s32 $0xE00, s0;
	[dreg:$0x9] =	wrdreg s25;
	v17 =	vor.u32 $0x1, v13;
	v18 =	vor.u32 $0x2, v13;
	v19 =	vor.u32 $0x3, v13  }
0x5d: {  	s3 =	ssub.s32 s3, s23;
	s0 =	sadd.s32 $0x600, s0;
	[dreg:$0x7] =	wrdreg s24;
	v20 =	vor.u32 $0x4, v13;
	v21 =	vor.u32 $0x5, v13;
	v22 =	vor.u32 $0x6, v13  }
0x5e: {  	s4 =	simm.s32 $0xC800;
	s26 =	smax.u32 s3, $0x1;
	[dreg:$0x8] =	wrdreg s0;
	v23 =	vor.u32 $0x7, v13;
	v24 =	vor.u32 $0x8, v13;
	v25 =	vor.u32 $0x9, v13  }
0x5f: {  	s25 =	simm.s32 $0x6400;
	s3 =	simm.s32 $0xA800;
	[dreg:$0xa] =	wrdreg s26;
	v26 =	vor.u32 $0xA, v13;
	v27 =	vor.u32 $0xB, v13;
	v28 =	vor.u32 $0xC, v13  }
0x60: {  	s0 =	simm.s32 $0x0;
	s24 =	simm.s32 $0x4400;
	s26 =	simm.s32 $0xA400;
	v29 =	vor.u32 $0xD, v13;
	v30 =	vor.u32 $0xE, v13;
	v31 =	vor.u32 $0xF, v13  }
.LBB2_1:
0x61: {  	[dreg:$0xb] =	wrdreg s0  }
0x62: {  	s20 =	rddreg [dreg:$0x7]  }
0x63: {  	[tilespmem:s2], [sflag:$0x3] =	stream.linear.gather [hbm4b:s20+s2], $0x200, $0x38;
	[tilespmem:$0x10700] =	vst v63  }
0x64: {  	_ =	swait.ge [sflag:s21], $0x200  }
0x65: {  	[sflag:s21] =	ssyncset.done $0x0  }
0x66: {  	s22 =	simm.s32 $0x200;
	s23 =	rddreg [dreg:$0x8];
	[sflag:s21] =	ssyncadd.s32 $0xFFFFFE00  }
0x67: {  	[tilespmem:s22], [sflag:$0x3] =	stream.linear.gather [hbm4b:s23+s2], $0x200, $0x38;
	[tilespmem:$0x10700] =	vst v63  }
0x68: {  	_ =	swait.ge [sflag:s21], $0x200  }
0x69: {  	[sflag:s21] =	ssyncset.done $0x0  }
0x6a: {  	s20 =	simm.s32 $0x0;
	[sflag:s21] =	ssyncadd.s32 $0xFFFFFE00  }
.LBB2_2:
0x6b: {  	s21 =	sshra.s32 s20, $0x2  }
0x6c: {  	v34 =	vld [tilespmem:s21+$0x0];
	_ =	sdelay $0x4  }
0x6d: {  	s22 =	rddreg [dreg:$0x5];
	v32 =	vand.u32 $0xFFFFFF80, v34  }
0x6e: {  	v33 =	vadd.s32 s22, v32  }
0x6f: {  	(v2sf) =	vpush v33, $0x0  }
0x70: {  	v35 =	vld [tilespmem:s21+$0x200];
	_ =	sdelay $0x4  }
0x71: {  	s23 =	rddreg [dreg:$0x6];
	v54 =	vand.u32 $0xFFFFFF80, v35  }
0x72: {  	v32 =	vadd.s32 s23, v54  }
0x73: {  	(v2sf) =	vpush v32, $0x0;
	_ =	sdelay $0x6  }
0x74: {  	s0 =	spop (v2sf)  }
0x75: {  	(v2sf) =	vpush v33, $0x1;
	[tilespmem:s9], [sflag:$0x1] =	stream.linear.gather [hbm4b:s0+s2], $0x400, $0x38;
	[tilespmem:$0x10700] =	vst v63  }
0x76: {  	s23 =	sadd.s32 $0xF4280, s0  }
0x77: {  	[tilespmem:s16], [sflag:$0x1] =	stream.linear.gather [hbm4b:s23+s2], $0x400, $0x38;
	[tilespmem:$0x10700] =	vst v63  }
0x78: {  	s14 =	sadd.s32 $0x1E8500, s0  }
0x79: {  	[tilespmem:s24], [sflag:$0x1] =	stream.linear.gather [hbm4b:s14+s2], $0x400, $0x38;
	[tilespmem:$0x10700] =	vst v63  }
0x7a: {  	s22 =	sadd.s32 $0x2DC780, s0  }
0x7b: {  	[tilespmem:s25], [sflag:$0x1] =	stream.linear.gather [hbm4b:s22+s2], $0x400, $0x38;
	[tilespmem:$0x10700] =	vst v63  }
0x7c: {  	s17 =	spop (v2sf)  }
0x7d: {  	(v2sf) =	vpush v32, $0x1;
	[tilespmem:s13], [sflag:$0x2] =	stream.linear.gather [hbm4b:s17+s2], $0x400, $0x38;
	[tilespmem:$0x10700] =	vst v63  }
0x7e: {  	s0 =	sadd.s32 $0xF4280, s17  }
0x7f: {  	[tilespmem:s26], [sflag:$0x2] =	stream.linear.gather [hbm4b:s0+s2], $0x400, $0x38;
	[tilespmem:$0x10700] =	vst v63  }
0x80: {  	s14 =	sadd.s32 $0x1E8500, s17  }
0x81: {  	[tilespmem:s28], [sflag:$0x2] =	stream.linear.gather [hbm4b:s14+s2], $0x400, $0x38;
	[tilespmem:$0x10700] =	vst v63  }
0x82: {  	s22 =	sadd.s32 $0x2DC780, s17  }
0x83: {  	[tilespmem:s29], [sflag:$0x2] =	stream.linear.gather [hbm4b:s22+s2], $0x400, $0x38;
	[tilespmem:$0x10700] =	vst v63  }
0x84: {  	s17 =	spop (v2sf)  }
0x85: {  	(v2sf) =	vpush v33, $0x2;
	[tilespmem:s30], [sflag:$0x1] =	stream.linear.gather [hbm4b:s17+s2], $0x400, $0x38;
	[tilespmem:$0x10700] =	vst v63  }
0x86: {  	s0 =	sadd.s32 $0xF4280, s17  }
0x87: {  	[tilespmem:s31], [sflag:$0x1] =	stream.linear.gather [hbm4b:s0+s2], $0x400, $0x38;
	[tilespmem:$0x10700] =	vst v63  }
0x88: {  	s14 =	sadd.s32 $0x1E8500, s17;
	s0 =	simm.s32 $0x4800  }
0x89: {  	[tilespmem:s0], [sflag:$0x1] =	stream.linear.gather [hbm4b:s14+s2], $0x400, $0x38;
	[tilespmem:$0x10700] =	vst v63  }
0x8a: {  	s22 =	sadd.s32 $0x2DC780, s17  }
0x8b: {  	[tilespmem:s1], [sflag:$0x1] =	stream.linear.gather [hbm4b:s22+s2], $0x400, $0x38;
	[tilespmem:$0x10700] =	vst v63  }
0x8c: {  	s22 =	spop (v2sf)  }
0x8d: {  	(v2sf) =	vpush v32, $0x2;
	[tilespmem:s8], [sflag:$0x2] =	stream.linear.gather [hbm4b:s22+s2], $0x400, $0x38;
	[tilespmem:$0x10700] =	vst v63  }
0x8e: {  	s17 =	sadd.s32 $0xF4280, s22  }
0x8f: {  	[tilespmem:s3], [sflag:$0x2] =	stream.linear.gather [hbm4b:s17+s2], $0x400, $0x38;
	[tilespmem:$0x10700] =	vst v63  }
0x90: {  	s14 =	sadd.s32 $0x1E8500, s22  }
0x91: {  	[tilespmem:s4], [sflag:$0x2] =	stream.linear.gather [hbm4b:s14+s2], $0x400, $0x38;
	[tilespmem:$0x10700] =	vst v63  }
0x92: {  	s22 =	sadd.s32 $0x2DC780, s22  }
0x93: {  	[tilespmem:s5], [sflag:$0x2] =	stream.linear.gather [hbm4b:s22+s2], $0x400, $0x38;
	[tilespmem:$0x10700] =	vst v63  }
0x94: {  	s22 =	spop (v2sf)  }
0x95: {  	(v2sf) =	vpush v33, $0x3;
	[tilespmem:s6], [sflag:$0x1] =	stream.linear.gather [hbm4b:s22+s2], $0x400, $0x38;
	[tilespmem:$0x10700] =	vst v63  }
0x96: {  	s17 =	sadd.s32 $0xF4280, s22  }
0x97: {  	[tilespmem:s7], [sflag:$0x1] =	stream.linear.gather [hbm4b:s17+s2], $0x400, $0x38;
	[tilespmem:$0x10700] =	vst v63  }
0x98: {  	s14 =	sadd.s32 $0x1E8500, s22  }
0x99: {  	[tilespmem:s10], [sflag:$0x1] =	stream.linear.gather [hbm4b:s14+s2], $0x400, $0x38;
	[tilespmem:$0x10700] =	vst v63  }
0x9a: {  	s22 =	sadd.s32 $0x2DC780, s22  }
0x9b: {  	[tilespmem:s11], [sflag:$0x1] =	stream.linear.gather [hbm4b:s22+s2], $0x400, $0x38;
	[tilespmem:$0x10700] =	vst v63  }
0x9c: {  	s22 =	spop (v2sf)  }
0x9d: {  	(v2sf) =	vpush v32, $0x3;
	[tilespmem:s12], [sflag:$0x2] =	stream.linear.gather [hbm4b:s22+s2], $0x400, $0x38;
	[tilespmem:$0x10700] =	vst v63  }
0x9e: {  	s14 =	simm.s32 $0xAC00;
	s17 =	sadd.s32 $0xF4280, s22  }
0x9f: {  	[tilespmem:s14], [sflag:$0x2] =	stream.linear.gather [hbm4b:s17+s2], $0x400, $0x38;
	[tilespmem:$0x10700] =	vst v63  }
0xa0: {  	s17 =	sadd.s32 $0x1E8500, s22  }
0xa1: {  	[tilespmem:s18], [sflag:$0x2] =	stream.linear.gather [hbm4b:s17+s2], $0x400, $0x38;
	[tilespmem:$0x10700] =	vst v63  }
0xa2: {  	s22 =	sadd.s32 $0x2DC780, s22;
	s17 =	simm.s32 $0xEC00  }
0xa3: {  	[tilespmem:s17], [sflag:$0x2] =	stream.linear.gather [hbm4b:s22+s2], $0x400, $0x38;
	[tilespmem:$0x10700] =	vst v63  }
0xa4: {  	s23 =	simm.s32 $0x1000;
	s22 =	spop (v2sf)  }
0xa5: {  	(v2sf) =	vpush v33, $0x4;
	[tilespmem:s23], [sflag:$0x1] =	stream.linear.gather [hbm4b:s22+s2], $0x400, $0x38;
	[tilespmem:$0x10700] =	vst v63  }
0xa6: {  	s17 =	simm.s32 $0x3000;
	s23 =	sadd.s32 $0xF4280, s22  }
0xa7: {  	[tilespmem:s17], [sflag:$0x1] =	stream.linear.gather [hbm4b:s23+s2], $0x400, $0x38;
	[tilespmem:$0x10700] =	vst v63  }
0xa8: {  	s23 =	sadd.s32 $0x1E8500, s22;
	s17 =	simm.s32 $0x5000  }
0xa9: {  	[tilespmem:s17], [sflag:$0x1] =	stream.linear.gather [hbm4b:s23+s2], $0x400, $0x38;
	[tilespmem:$0x10700] =	vst v63  }
0xaa: {  	s22 =	sadd.s32 $0x2DC780, s22;
	s23 =	simm.s32 $0x7000  }
0xab: {  	[tilespmem:s23], [sflag:$0x1] =	stream.linear.gather [hbm4b:s22+s2], $0x400, $0x38;
	[tilespmem:$0x10700] =	vst v63  }
0xac: {  	s22 =	spop (v2sf);
	s23 =	simm.s32 $0x9000  }
0xad: {  	(v2sf) =	vpush v32, $0x4;
	[tilespmem:s23], [sflag:$0x2] =	stream.linear.gather [hbm4b:s22+s2], $0x400, $0x38;
	[tilespmem:$0x10700] =	vst v63  }
0xae: {  	s17 =	simm.s32 $0xB000;
	s23 =	sadd.s32 $0xF4280, s22  }
0xaf: {  	[tilespmem:s17], [sflag:$0x2] =	stream.linear.gather [hbm4b:s23+s2], $0x400, $0x38;
	[tilespmem:$0x10700] =	vst v63  }
0xb0: {  	s23 =	sadd.s32 $0x1E8500, s22;
	s17 =	simm.s32 $0xD000  }
0xb1: {  	[tilespmem:s17], [sflag:$0x2] =	stream.linear.gather [hbm4b:s23+s2], $0x400, $0x38;
	[tilespmem:$0x10700] =	vst v63  }
0xb2: {  	s22 =	sadd.s32 $0x2DC780, s22;
	s23 =	simm.s32 $0xF000  }
0xb3: {  	[tilespmem:s23], [sflag:$0x2] =	stream.linear.gather [hbm4b:s22+s2], $0x400, $0x38;
	[tilespmem:$0x10700] =	vst v63  }
0xb4: {  	s22 =	spop (v2sf);
	s23 =	simm.s32 $0x1400  }
0xb5: {  	(v2sf) =	vpush v33, $0x5;
	[tilespmem:s23], [sflag:$0x1] =	stream.linear.gather [hbm4b:s22+s2], $0x400, $0x38;
	[tilespmem:$0x10700] =	vst v63  }
0xb6: {  	s17 =	simm.s32 $0x3400;
	s23 =	sadd.s32 $0xF4280, s22  }
0xb7: {  	[tilespmem:s17], [sflag:$0x1] =	stream.linear.gather [hbm4b:s23+s2], $0x400, $0x38;
	[tilespmem:$0x10700] =	vst v63  }
0xb8: {  	s23 =	sadd.s32 $0x1E8500, s22;
	s17 =	simm.s32 $0x5400  }
0xb9: {  	[tilespmem:s17], [sflag:$0x1] =	stream.linear.gather [hbm4b:s23+s2], $0x400, $0x38;
	[tilespmem:$0x10700] =	vst v63  }
0xba: {  	s22 =	sadd.s32 $0x2DC780, s22;
	s23 =	simm.s32 $0x7400  }
0xbb: {  	[tilespmem:s23], [sflag:$0x1] =	stream.linear.gather [hbm4b:s22+s2], $0x400, $0x38;
	[tilespmem:$0x10700] =	vst v63  }
0xbc: {  	s22 =	spop (v2sf);
	s23 =	simm.s32 $0x9400  }
0xbd: {  	(v2sf) =	vpush v32, $0x5;
	[tilespmem:s23], [sflag:$0x2] =	stream.linear.gather [hbm4b:s22+s2], $0x400, $0x38;
	[tilespmem:$0x10700] =	vst v63  }
0xbe: {  	s17 =	simm.s32 $0xB400;
	s23 =	sadd.s32 $0xF4280, s22  }
0xbf: {  	[tilespmem:s17], [sflag:$0x2] =	stream.linear.gather [hbm4b:s23+s2], $0x400, $0x38;
	[tilespmem:$0x10700] =	vst v63  }
0xc0: {  	s23 =	sadd.s32 $0x1E8500, s22;
	s17 =	simm.s32 $0xD400  }
0xc1: {  	[tilespmem:s17], [sflag:$0x2] =	stream.linear.gather [hbm4b:s23+s2], $0x400, $0x38;
	[tilespmem:$0x10700] =	vst v63  }
0xc2: {  	s22 =	sadd.s32 $0x2DC780, s22;
	s23 =	simm.s32 $0xF400  }
0xc3: {  	[tilespmem:s23], [sflag:$0x2] =	stream.linear.gather [hbm4b:s22+s2], $0x400, $0x38;
	[tilespmem:$0x10700] =	vst v63  }
0xc4: {  	s22 =	spop (v2sf);
	s23 =	simm.s32 $0x1800  }
0xc5: {  	(v2sf) =	vpush v33, $0x6;
	[tilespmem:s23], [sflag:$0x1] =	stream.linear.gather [hbm4b:s22+s2], $0x400, $0x38;
	[tilespmem:$0x10700] =	vst v63  }
0xc6: {  	s17 =	simm.s32 $0x3800;
	s23 =	sadd.s32 $0xF4280, s22  }
0xc7: {  	[tilespmem:s17], [sflag:$0x1] =	stream.linear.gather [hbm4b:s23+s2], $0x400, $0x38;
	[tilespmem:$0x10700] =	vst v63  }
0xc8: {  	s23 =	sadd.s32 $0x1E8500, s22;
	s17 =	simm.s32 $0x5800  }
0xc9: {  	[tilespmem:s17], [sflag:$0x1] =	stream.linear.gather [hbm4b:s23+s2], $0x400, $0x38;
	[tilespmem:$0x10700] =	vst v63  }
0xca: {  	s22 =	sadd.s32 $0x2DC780, s22;
	s23 =	simm.s32 $0x7800  }
0xcb: {  	[tilespmem:s23], [sflag:$0x1] =	stream.linear.gather [hbm4b:s22+s2], $0x400, $0x38;
	[tilespmem:$0x10700] =	vst v63  }
0xcc: {  	s22 =	spop (v2sf);
	s23 =	simm.s32 $0x9800  }
0xcd: {  	(v2sf) =	vpush v32, $0x6;
	[tilespmem:s23], [sflag:$0x2] =	stream.linear.gather [hbm4b:s22+s2], $0x400, $0x38;
	[tilespmem:$0x10700] =	vst v63  }
0xce: {  	s17 =	simm.s32 $0xB800;
	s23 =	sadd.s32 $0xF4280, s22  }
0xcf: {  	[tilespmem:s17], [sflag:$0x2] =	stream.linear.gather [hbm4b:s23+s2], $0x400, $0x38;
	[tilespmem:$0x10700] =	vst v63  }
0xd0: {  	s23 =	sadd.s32 $0x1E8500, s22;
	s17 =	simm.s32 $0xD800  }
0xd1: {  	[tilespmem:s17], [sflag:$0x2] =	stream.linear.gather [hbm4b:s23+s2], $0x400, $0x38;
	[tilespmem:$0x10700] =	vst v63  }
0xd2: {  	s22 =	sadd.s32 $0x2DC780, s22;
	s23 =	simm.s32 $0xF800  }
0xd3: {  	[tilespmem:s23], [sflag:$0x2] =	stream.linear.gather [hbm4b:s22+s2], $0x400, $0x38;
	[tilespmem:$0x10700] =	vst v63  }
0xd4: {  	s22 =	spop (v2sf);
	s23 =	simm.s32 $0x1C00  }
0xd5: {  	(v2sf) =	vpush v33, $0x7;
	[tilespmem:s23], [sflag:$0x1] =	stream.linear.gather [hbm4b:s22+s2], $0x400, $0x38;
	[tilespmem:$0x10700] =	vst v63  }
0xd6: {  	s17 =	simm.s32 $0x3C00;
	s23 =	sadd.s32 $0xF4280, s22  }
0xd7: {  	[tilespmem:s17], [sflag:$0x1] =	stream.linear.gather [hbm4b:s23+s2], $0x400, $0x38;
	[tilespmem:$0x10700] =	vst v63  }
0xd8: {  	s23 =	sadd.s32 $0x1E8500, s22;
	s17 =	simm.s32 $0x5C00  }
0xd9: {  	[tilespmem:s17], [sflag:$0x1] =	stream.linear.gather [hbm4b:s23+s2], $0x400, $0x38;
	[tilespmem:$0x10700] =	vst v63  }
0xda: {  	s22 =	sadd.s32 $0x2DC780, s22;
	s23 =	simm.s32 $0x7C00  }
0xdb: {  	[tilespmem:s23], [sflag:$0x1] =	stream.linear.gather [hbm4b:s22+s2], $0x400, $0x38;
	[tilespmem:$0x10700] =	vst v63  }
0xdc: {  	s22 =	spop (v2sf);
	s23 =	simm.s32 $0x9C00  }
0xdd: {  	(v2sf) =	vpush v32, $0x7;
	[tilespmem:s23], [sflag:$0x2] =	stream.linear.gather [hbm4b:s22+s2], $0x400, $0x38;
	[tilespmem:$0x10700] =	vst v63  }
0xde: {  	s17 =	simm.s32 $0xBC00;
	s23 =	sadd.s32 $0xF4280, s22  }
0xdf: {  	[tilespmem:s17], [sflag:$0x2] =	stream.linear.gather [hbm4b:s23+s2], $0x400, $0x38;
	[tilespmem:$0x10700] =	vst v63  }
0xe0: {  	s23 =	sadd.s32 $0x1E8500, s22;
	s17 =	simm.s32 $0xDC00  }
0xe1: {  	[tilespmem:s17], [sflag:$0x2] =	stream.linear.gather [hbm4b:s23+s2], $0x400, $0x38;
	[tilespmem:$0x10700] =	vst v63  }
0xe2: {  	s22 =	sadd.s32 $0x2DC780, s22;
	s23 =	simm.s32 $0xFC00  }
0xe3: {  	[tilespmem:s23], [sflag:$0x2] =	stream.linear.gather [hbm4b:s22+s2], $0x400, $0x38;
	[tilespmem:$0x10700] =	vst v63  }
0xe4: {  	s22 =	spop (v2sf);
	s23 =	simm.s32 $0x2000  }
0xe5: {  	[tilespmem:s23], [sflag:$0x1] =	stream.linear.gather [hbm4b:s22+s2], $0x400, $0x38;
	[tilespmem:$0x10700] =	vst v63  }
0xe6: {  	s17 =	simm.s32 $0x4000;
	s23 =	sadd.s32 $0xF4280, s22  }
0xe7: {  	[tilespmem:s17], [sflag:$0x1] =	stream.linear.gather [hbm4b:s23+s2], $0x400, $0x38;
	[tilespmem:$0x10700] =	vst v63  }
0xe8: {  	s23 =	sadd.s32 $0x1E8500, s22;
	s17 =	simm.s32 $0x6000  }
0xe9: {  	[tilespmem:s17], [sflag:$0x1] =	stream.linear.gather [hbm4b:s23+s2], $0x400, $0x38;
	[tilespmem:$0x10700] =	vst v63  }
0xea: {  	s22 =	sadd.s32 $0x2DC780, s22;
	s23 =	simm.s32 $0x8000  }
0xeb: {  	[tilespmem:s23], [sflag:$0x1] =	stream.linear.gather [hbm4b:s22+s2], $0x400, $0x38;
	[tilespmem:$0x10700] =	vst v63  }
0xec: {  	s22 =	spop (v2sf);
	s23 =	simm.s32 $0xA000  }
0xed: {  	[tilespmem:s23], [sflag:$0x2] =	stream.linear.gather [hbm4b:s22+s2], $0x400, $0x38;
	[tilespmem:$0x10700] =	vst v63  }
0xee: {  	s17 =	simm.s32 $0xC000;
	s23 =	sadd.s32 $0xF4280, s22  }
0xef: {  	[tilespmem:s17], [sflag:$0x2] =	stream.linear.gather [hbm4b:s23+s2], $0x400, $0x38;
	[tilespmem:$0x10700] =	vst v63  }
0xf0: {  	s23 =	sadd.s32 $0x1E8500, s22;
	s17 =	simm.s32 $0xE000  }
0xf1: {  	[tilespmem:s17], [sflag:$0x2] =	stream.linear.gather [hbm4b:s23+s2], $0x400, $0x38;
	[tilespmem:$0x10700] =	vst v63  }
0xf2: {  	s15 =	simm.s32 $0x10000;
	s22 =	sadd.s32 $0x2DC780, s22  }
0xf3: {  	v34 =	vand.u32 $0x7F, v34;
	[tilespmem:s15], [sflag:$0x2] =	stream.linear.gather [hbm4b:s22+s2], $0x400, $0x38;
	[tilespmem:$0x10700] =	vst v63  }
0xf4: {  	v36 =	vbroadcast v34, $0x0;
	s15 =	simm.s32 $0x1  }
0xf5: {  	v35 =	vand.u32 $0x7F, v35;
	_ =	swait.ge [sflag:s15], $0x8000  }
0xf6: {  	v37 =	vbroadcast v35, $0x0;
	v38 =	vor.u32 v0, v36;
	[sflag:s15] =	ssyncset.done $0x0  }
0xf7: {  	v36 =	vor.u32 v1, v36;
	s17 =	simm.s32 $0x2;
	[sflag:s15] =	ssyncadd.s32 $0xFFFF8000  }
0xf8: {  	v39 =	vor.u32 v0, v37;
	_ =	swait.ge [sflag:s17], $0x8000  }
0xf9: {  	v37 =	vor.u32 v1, v37;
	[sflag:s17] =	ssyncset.done $0x0  }
0xfa: {  	[sflag:s17] =	ssyncadd.s32 $0xFFFF8000  }
0xfb: {  	v38 =	vld.idx.msk [tilespmem:v38+s9+$0x0], $0xffff  }
0xfc: {  	v36 =	vld.idx.msk [tilespmem:v36+s9+$0x0], $0xffff  }
0xfd: {  	v39 =	vld.idx.msk [tilespmem:v39+s13+$0x0], $0xffff  }
0xfe: {  	v37 =	vld.idx.msk [tilespmem:v37+s13+$0x0], $0xffff;
	_ =	sdelay $0x2  }
0xff: {  	v40 =	vbroadcast v34, $0x1  }
0x100: {  	v56 =	vbroadcast v35, $0x1  }
0x101: {  	v55 =	vor.u32 v2, v40;
	v38 =	vmul.f32 v39, v38;
	v36 =	vmul.f32 v37, v36  }
0x102: {  	v40 =	vor.u32 v3, v40  }
0x103: {  	v57 =	vor.u32 v2, v56;
	v36 =	vadd.f32 v36, v38  }
0x104: {  	v39 =	vor.u32 v3, v56  }
0x105: {  	[tilespmem:$0x10400] =	vst v36  }
0x106: {  	v36 =	vld.idx.msk [tilespmem:v55+s9+$0x0], $0xffff  }
0x107: {  	v58 =	vld.idx.msk [tilespmem:v40+s9+$0x0], $0xffff  }
0x108: {  	v38 =	vld.idx.msk [tilespmem:v57+s13+$0x0], $0xffff  }
0x109: {  	v39 =	vld.idx.msk [tilespmem:v39+s13+$0x0], $0xffff;
	_ =	sdelay $0x2  }
0x10a: {  	v59 =	vbroadcast v34, $0x2  }
0x10b: {  	v61 =	vbroadcast v35, $0x2  }
0x10c: {  	v60 =	vor.u32 v4, v59;
	v36 =	vmul.f32 v38, v36;
	v37 =	vmul.f32 v39, v58  }
0x10d: {  	v40 =	vor.u32 v5, v59  }
0x10e: {  	v62 =	vor.u32 v4, v61;
	v36 =	vadd.f32 v37, v36  }
0x10f: {  	v39 =	vor.u32 v5, v61  }
0x110: {  	[tilespmem:$0x10410] =	vst v36  }
0x111: {  	v36 =	vld.idx.msk [tilespmem:v60+s9+$0x0], $0xffff  }
0x112: {  	v63 =	vld.idx.msk [tilespmem:v40+s9+$0x0], $0xffff  }
0x113: {  	v37 =	vld.idx.msk [tilespmem:v62+s13+$0x0], $0xffff  }
0x114: {  	v39 =	vld.idx.msk [tilespmem:v39+s13+$0x0], $0xffff;
	_ =	sdelay $0x2  }
0x115: {  	v44 =	vbroadcast v34, $0x3  }
0x116: {  	v47 =	vbroadcast v35, $0x3  }
0x117: {  	v46 =	vor.u32 v6, v44;
	v36 =	vmul.f32 v37, v36;
	v45 =	vmul.f32 v39, v63  }
0x118: {  	v40 =	vor.u32 v7, v44  }
0x119: {  	v48 =	vor.u32 v6, v47;
	v36 =	vadd.f32 v45, v36  }
0x11a: {  	v39 =	vor.u32 v7, v47  }
0x11b: {  	[tilespmem:$0x10420] =	vst v36  }
0x11c: {  	v36 =	vld.idx.msk [tilespmem:v46+s9+$0x0], $0xffff  }
0x11d: {  	v49 =	vld.idx.msk [tilespmem:v40+s9+$0x0], $0xffff  }
0x11e: {  	v37 =	vld.idx.msk [tilespmem:v48+s13+$0x0], $0xffff  }
0x11f: {  	v39 =	vld.idx.msk [tilespmem:v39+s13+$0x0], $0xffff;
	_ =	sdelay $0x2  }
0x120: {  	v50 =	vbroadcast v34, $0x4  }
0x121: {  	v53 =	vbroadcast v35, $0x4  }
0x122: {  	v52 =	vor.u32 v8, v50;
	v36 =	vmul.f32 v37, v36;
	v51 =	vmul.f32 v39, v49  }
0x123: {  	v40 =	vor.u32 v9, v50  }
0x124: {  	v54 =	vor.u32 v8, v53;
	v36 =	vadd.f32 v51, v36  }
0x125: {  	v39 =	vor.u32 v9, v53  }
0x126: {  	[tilespmem:$0x10430] =	vst v36  }
0x127: {  	v36 =	vld.idx.msk [tilespmem:v52+s9+$0x0], $0xffff  }
0x128: {  	v55 =	vld.idx.msk [tilespmem:v40+s9+$0x0], $0xffff  }
0x129: {  	v37 =	vld.idx.msk [tilespmem:v54+s13+$0x0], $0xffff  }
0x12a: {  	v39 =	vld.idx.msk [tilespmem:v39+s13+$0x0], $0xffff;
	_ =	sdelay $0x2  }
0x12b: {  	v56 =	vbroadcast v34, $0x5  }
0x12c: {  	v59 =	vbroadcast v35, $0x5  }
0x12d: {  	v58 =	vor.u32 v10, v56;
	v36 =	vmul.f32 v37, v36;
	v57 =	vmul.f32 v39, v55  }
0x12e: {  	v40 =	vor.u32 v11, v56  }
0x12f: {  	v60 =	vor.u32 v10, v59;
	v36 =	vadd.f32 v57, v36  }
0x130: {  	v39 =	vor.u32 v11, v59  }
0x131: {  	[tilespmem:$0x10440] =	vst v36  }
0x132: {  	v36 =	vld.idx.msk [tilespmem:v58+s9+$0x0], $0xffff  }
0x133: {  	v61 =	vld.idx.msk [tilespmem:v40+s9+$0x0], $0xffff  }
0x134: {  	v37 =	vld.idx.msk [tilespmem:v60+s13+$0x0], $0xffff  }
0x135: {  	v39 =	vld.idx.msk [tilespmem:v39+s13+$0x0], $0xffff;
	_ =	sdelay $0x2  }
0x136: {  	v62 =	vbroadcast v34, $0x6  }
0x137: {  	v45 =	vbroadcast v35, $0x6  }
0x138: {  	v44 =	vor.u32 v12, v62;
	v36 =	vmul.f32 v37, v36;
	v63 =	vmul.f32 v39, v61  }
0x139: {  	v40 =	vor.u32 v14, v62  }
0x13a: {  	v46 =	vor.u32 v12, v45;
	v36 =	vadd.f32 v63, v36  }
0x13b: {  	v39 =	vor.u32 v14, v45  }
0x13c: {  	[tilespmem:$0x10450] =	vst v36  }
0x13d: {  	v36 =	vld.idx.msk [tilespmem:v44+s9+$0x0], $0xffff  }
0x13e: {  	v47 =	vld.idx.msk [tilespmem:v40+s9+$0x0], $0xffff  }
0x13f: {  	v37 =	vld.idx.msk [tilespmem:v46+s13+$0x0], $0xffff  }
0x140: {  	v39 =	vld.idx.msk [tilespmem:v39+s13+$0x0], $0xffff;
	_ =	sdelay $0x2  }
0x141: {  	v48 =	vbroadcast v34, $0x7  }
0x142: {  	v51 =	vbroadcast v35, $0x7  }
0x143: {  	v50 =	vor.u32 v15, v48;
	v36 =	vmul.f32 v37, v36;
	v49 =	vmul.f32 v39, v47  }
0x144: {  	v40 =	vor.u32 v16, v48  }
0x145: {  	(v2sf) =	vpush v33, $0x8;
	v52 =	vor.u32 v15, v51;
	v36 =	vadd.f32 v49, v36  }
0x146: {  	v39 =	vor.u32 v16, v51  }
0x147: {  	[tilespmem:$0x10460] =	vst v36  }
0x148: {  	v36 =	vld.idx.msk [tilespmem:v50+s9+$0x0], $0xffff  }
0x149: {  	v53 =	vld.idx.msk [tilespmem:v40+s9+$0x0], $0xffff  }
0x14a: {  	v37 =	vld.idx.msk [tilespmem:v52+s13+$0x0], $0xffff  }
0x14b: {  	v39 =	vld.idx.msk [tilespmem:v39+s13+$0x0], $0xffff;
	_ =	sdelay $0x1  }
0x14c: {  	(v2sf) =	vpush v32, $0x8;
	_ =	sdelay $0x2  }
0x14d: {  	v36 =	vmul.f32 v37, v36;
	v54 =	vmul.f32 v39, v53;
	_ =	sdelay $0x1  }
0x14e: {  	v36 =	vadd.f32 v54, v36;
	_ =	sdelay $0x1  }
0x14f: {  	s22 =	spop (v2sf);
	[tilespmem:$0x10470] =	vst v36  }
0x150: {  	(v2sf) =	vpush v33, $0x9;
	[tilespmem:s9], [sflag:$0x1] =	stream.linear.gather [hbm4b:s22+s2], $0x400, $0x38;
	[tilespmem:$0x10700] =	vst v63  }
0x151: {  	s23 =	sadd.s32 $0xF4280, s22  }
0x152: {  	[tilespmem:s16], [sflag:$0x1] =	stream.linear.gather [hbm4b:s23+s2], $0x400, $0x38;
	[tilespmem:$0x10700] =	vst v63  }
0x153: {  	s23 =	sadd.s32 $0x1E8500, s22  }
0x154: {  	[tilespmem:s24], [sflag:$0x1] =	stream.linear.gather [hbm4b:s23+s2], $0x400, $0x38;
	[tilespmem:$0x10700] =	vst v63  }
0x155: {  	s22 =	sadd.s32 $0x2DC780, s22  }
0x156: {  	[tilespmem:s25], [sflag:$0x1] =	stream.linear.gather [hbm4b:s22+s2], $0x400, $0x38;
	[tilespmem:$0x10700] =	vst v63  }
0x157: {  	s22 =	spop (v2sf)  }
0x158: {  	(v2sf) =	vpush v32, $0x9;
	[tilespmem:s13], [sflag:$0x2] =	stream.linear.gather [hbm4b:s22+s2], $0x400, $0x38;
	[tilespmem:$0x10700] =	vst v63  }
0x159: {  	s23 =	sadd.s32 $0xF4280, s22  }
0x15a: {  	[tilespmem:s26], [sflag:$0x2] =	stream.linear.gather [hbm4b:s23+s2], $0x400, $0x38;
	[tilespmem:$0x10700] =	vst v63  }
0x15b: {  	s23 =	sadd.s32 $0x1E8500, s22  }
0x15c: {  	[tilespmem:s28], [sflag:$0x2] =	stream.linear.gather [hbm4b:s23+s2], $0x400, $0x38;
	[tilespmem:$0x10700] =	vst v63  }
0x15d: {  	s22 =	sadd.s32 $0x2DC780, s22  }
0x15e: {  	[tilespmem:s29], [sflag:$0x2] =	stream.linear.gather [hbm4b:s22+s2], $0x400, $0x38;
	[tilespmem:$0x10700] =	vst v63  }
0x15f: {  	s22 =	spop (v2sf)  }
0x160: {  	(v2sf) =	vpush v33, $0xA;
	[tilespmem:s30], [sflag:$0x1] =	stream.linear.gather [hbm4b:s22+s2], $0x400, $0x38;
	[tilespmem:$0x10700] =	vst v63  }
0x161: {  	s23 =	sadd.s32 $0xF4280, s22  }
0x162: {  	[tilespmem:s31], [sflag:$0x1] =	stream.linear.gather [hbm4b:s23+s2], $0x400, $0x38;
	[tilespmem:$0x10700] =	vst v63  }
0x163: {  	s23 =	sadd.s32 $0x1E8500, s22  }
0x164: {  	[tilespmem:s0], [sflag:$0x1] =	stream.linear.gather [hbm4b:s23+s2], $0x400, $0x38;
	[tilespmem:$0x10700] =	vst v63  }
0x165: {  	s22 =	sadd.s32 $0x2DC780, s22  }
0x166: {  	[tilespmem:s1], [sflag:$0x1] =	stream.linear.gather [hbm4b:s22+s2], $0x400, $0x38;
	[tilespmem:$0x10700] =	vst v63  }
0x167: {  	s22 =	spop (v2sf)  }
0x168: {  	(v2sf) =	vpush v32, $0xA;
	[tilespmem:s8], [sflag:$0x2] =	stream.linear.gather [hbm4b:s22+s2], $0x400, $0x38;
	[tilespmem:$0x10700] =	vst v63  }
0x169: {  	s0 =	sadd.s32 $0xF4280, s22  }
0x16a: {  	[tilespmem:s3], [sflag:$0x2] =	stream.linear.gather [hbm4b:s0+s2], $0x400, $0x38;
	[tilespmem:$0x10700] =	vst v63  }
0x16b: {  	s0 =	sadd.s32 $0x1E8500, s22  }
0x16c: {  	[tilespmem:s4], [sflag:$0x2] =	stream.linear.gather [hbm4b:s0+s2], $0x400, $0x38;
	[tilespmem:$0x10700] =	vst v63  }
0x16d: {  	s22 =	sadd.s32 $0x2DC780, s22  }
0x16e: {  	[tilespmem:s5], [sflag:$0x2] =	stream.linear.gather [hbm4b:s22+s2], $0x400, $0x38;
	[tilespmem:$0x10700] =	vst v63  }
0x16f: {  	s22 =	spop (v2sf)  }
0x170: {  	(v2sf) =	vpush v33, $0xB;
	[tilespmem:s6], [sflag:$0x1] =	stream.linear.gather [hbm4b:s22+s2], $0x400, $0x38;
	[tilespmem:$0x10700] =	vst v63  }
0x171: {  	s0 =	sadd.s32 $0xF4280, s22  }
0x172: {  	[tilespmem:s7], [sflag:$0x1] =	stream.linear.gather [hbm4b:s0+s2], $0x400, $0x38;
	[tilespmem:$0x10700] =	vst v63  }
0x173: {  	s0 =	sadd.s32 $0x1E8500, s22  }
0x174: {  	[tilespmem:s10], [sflag:$0x1] =	stream.linear.gather [hbm4b:s0+s2], $0x400, $0x38;
	[tilespmem:$0x10700] =	vst v63  }
0x175: {  	s22 =	sadd.s32 $0x2DC780, s22  }
0x176: {  	[tilespmem:s11], [sflag:$0x1] =	stream.linear.gather [hbm4b:s22+s2], $0x400, $0x38;
	[tilespmem:$0x10700] =	vst v63  }
0x177: {  	s22 =	spop (v2sf)  }
0x178: {  	(v2sf) =	vpush v32, $0xB;
	[tilespmem:s12], [sflag:$0x2] =	stream.linear.gather [hbm4b:s22+s2], $0x400, $0x38;
	[tilespmem:$0x10700] =	vst v63  }
0x179: {  	s0 =	sadd.s32 $0xF4280, s22  }
0x17a: {  	[tilespmem:s14], [sflag:$0x2] =	stream.linear.gather [hbm4b:s0+s2], $0x400, $0x38;
	[tilespmem:$0x10700] =	vst v63  }
0x17b: {  	s0 =	sadd.s32 $0x1E8500, s22  }
0x17c: {  	[tilespmem:s18], [sflag:$0x2] =	stream.linear.gather [hbm4b:s0+s2], $0x400, $0x38;
	[tilespmem:$0x10700] =	vst v63  }
0x17d: {  	s22 =	sadd.s32 $0x2DC780, s22;
	s14 =	simm.s32 $0xEC00  }
0x17e: {  	[tilespmem:s14], [sflag:$0x2] =	stream.linear.gather [hbm4b:s22+s2], $0x400, $0x38;
	[tilespmem:$0x10700] =	vst v63  }
0x17f: {  	s23 =	simm.s32 $0x1000;
	s22 =	spop (v2sf)  }
0x180: {  	(v2sf) =	vpush v33, $0xC;
	[tilespmem:s23], [sflag:$0x1] =	stream.linear.gather [hbm4b:s22+s2], $0x400, $0x38;
	[tilespmem:$0x10700] =	vst v63  }
0x181: {  	s14 =	simm.s32 $0x3000;
	s0 =	sadd.s32 $0xF4280, s22  }
0x182: {  	[tilespmem:s14], [sflag:$0x1] =	stream.linear.gather [hbm4b:s0+s2], $0x400, $0x38;
	[tilespmem:$0x10700] =	vst v63  }
0x183: {  	s0 =	sadd.s32 $0x1E8500, s22;
	s14 =	simm.s32 $0x5000  }
0x184: {  	[tilespmem:s14], [sflag:$0x1] =	stream.linear.gather [hbm4b:s0+s2], $0x400, $0x38;
	[tilespmem:$0x10700] =	vst v63  }
0x185: {  	s22 =	sadd.s32 $0x2DC780, s22;
	s14 =	simm.s32 $0x7000  }
0x186: {  	[tilespmem:s14], [sflag:$0x1] =	stream.linear.gather [hbm4b:s22+s2], $0x400, $0x38;
	[tilespmem:$0x10700] =	vst v63  }
0x187: {  	s23 =	simm.s32 $0x9000;
	s22 =	spop (v2sf)  }
0x188: {  	(v2sf) =	vpush v32, $0xC;
	[tilespmem:s23], [sflag:$0x2] =	stream.linear.gather [hbm4b:s22+s2], $0x400, $0x38;
	[tilespmem:$0x10700] =	vst v63  }
0x189: {  	s14 =	simm.s32 $0xB000;
	s0 =	sadd.s32 $0xF4280, s22  }
0x18a: {  	[tilespmem:s14], [sflag:$0x2] =	stream.linear.gather [hbm4b:s0+s2], $0x400, $0x38;
	[tilespmem:$0x10700] =	vst v63  }
0x18b: {  	s0 =	sadd.s32 $0x1E8500, s22;
	s14 =	simm.s32 $0xD000  }
0x18c: {  	[tilespmem:s14], [sflag:$0x2] =	stream.linear.gather [hbm4b:s0+s2], $0x400, $0x38;
	[tilespmem:$0x10700] =	vst v63  }
0x18d: {  	s22 =	sadd.s32 $0x2DC780, s22;
	s14 =	simm.s32 $0xF000  }
0x18e: {  	[tilespmem:s14], [sflag:$0x2] =	stream.linear.gather [hbm4b:s22+s2], $0x400, $0x38;
	[tilespmem:$0x10700] =	vst v63  }
0x18f: {  	s23 =	simm.s32 $0x1400;
	s22 =	spop (v2sf)  }
0x190: {  	(v2sf) =	vpush v33, $0xD;
	[tilespmem:s23], [sflag:$0x1] =	stream.linear.gather [hbm4b:s22+s2], $0x400, $0x38;
	[tilespmem:$0x10700] =	vst v63  }
0x191: {  	s14 =	simm.s32 $0x3400;
	s0 =	sadd.s32 $0xF4280, s22  }
0x192: {  	[tilespmem:s14], [sflag:$0x1] =	stream.linear.gather [hbm4b:s0+s2], $0x400, $0x38;
	[tilespmem:$0x10700] =	vst v63  }
0x193: {  	s0 =	sadd.s32 $0x1E8500, s22;
	s14 =	simm.s32 $0x5400  }
0x194: {  	[tilespmem:s14], [sflag:$0x1] =	stream.linear.gather [hbm4b:s0+s2], $0x400, $0x38;
	[tilespmem:$0x10700] =	vst v63  }
0x195: {  	s22 =	sadd.s32 $0x2DC780, s22;
	s14 =	simm.s32 $0x7400  }
0x196: {  	[tilespmem:s14], [sflag:$0x1] =	stream.linear.gather [hbm4b:s22+s2], $0x400, $0x38;
	[tilespmem:$0x10700] =	vst v63  }
0x197: {  	s23 =	simm.s32 $0x9400;
	s22 =	spop (v2sf)  }
0x198: {  	(v2sf) =	vpush v32, $0xD;
	[tilespmem:s23], [sflag:$0x2] =	stream.linear.gather [hbm4b:s22+s2], $0x400, $0x38;
	[tilespmem:$0x10700] =	vst v63  }
0x199: {  	s14 =	simm.s32 $0xB400;
	s0 =	sadd.s32 $0xF4280, s22  }
0x19a: {  	[tilespmem:s14], [sflag:$0x2] =	stream.linear.gather [hbm4b:s0+s2], $0x400, $0x38;
	[tilespmem:$0x10700] =	vst v63  }
0x19b: {  	s0 =	sadd.s32 $0x1E8500, s22;
	s14 =	simm.s32 $0xD400  }
0x19c: {  	[tilespmem:s14], [sflag:$0x2] =	stream.linear.gather [hbm4b:s0+s2], $0x400, $0x38;
	[tilespmem:$0x10700] =	vst v63  }
0x19d: {  	s22 =	sadd.s32 $0x2DC780, s22;
	s14 =	simm.s32 $0xF400  }
0x19e: {  	[tilespmem:s14], [sflag:$0x2] =	stream.linear.gather [hbm4b:s22+s2], $0x400, $0x38;
	[tilespmem:$0x10700] =	vst v63  }
0x19f: {  	s23 =	simm.s32 $0x1800;
	s22 =	spop (v2sf)  }
0x1a0: {  	(v2sf) =	vpush v33, $0xE;
	[tilespmem:s23], [sflag:$0x1] =	stream.linear.gather [hbm4b:s22+s2], $0x400, $0x38;
	[tilespmem:$0x10700] =	vst v63  }
0x1a1: {  	s14 =	simm.s32 $0x3800;
	s0 =	sadd.s32 $0xF4280, s22  }
0x1a2: {  	[tilespmem:s14], [sflag:$0x1] =	stream.linear.gather [hbm4b:s0+s2], $0x400, $0x38;
	[tilespmem:$0x10700] =	vst v63  }
0x1a3: {  	s0 =	sadd.s32 $0x1E8500, s22;
	s14 =	simm.s32 $0x5800  }
0x1a4: {  	[tilespmem:s14], [sflag:$0x1] =	stream.linear.gather [hbm4b:s0+s2], $0x400, $0x38;
	[tilespmem:$0x10700] =	vst v63  }
0x1a5: {  	s22 =	sadd.s32 $0x2DC780, s22;
	s14 =	simm.s32 $0x7800  }
0x1a6: {  	[tilespmem:s14], [sflag:$0x1] =	stream.linear.gather [hbm4b:s22+s2], $0x400, $0x38;
	[tilespmem:$0x10700] =	vst v63  }
0x1a7: {  	s23 =	simm.s32 $0x9800;
	s22 =	spop (v2sf)  }
0x1a8: {  	(v2sf) =	vpush v32, $0xE;
	[tilespmem:s23], [sflag:$0x2] =	stream.linear.gather [hbm4b:s22+s2], $0x400, $0x38;
	[tilespmem:$0x10700] =	vst v63  }
0x1a9: {  	s14 =	simm.s32 $0xB800;
	s0 =	sadd.s32 $0xF4280, s22  }
0x1aa: {  	[tilespmem:s14], [sflag:$0x2] =	stream.linear.gather [hbm4b:s0+s2], $0x400, $0x38;
	[tilespmem:$0x10700] =	vst v63  }
0x1ab: {  	s0 =	sadd.s32 $0x1E8500, s22;
	s14 =	simm.s32 $0xD800  }
0x1ac: {  	[tilespmem:s14], [sflag:$0x2] =	stream.linear.gather [hbm4b:s0+s2], $0x400, $0x38;
	[tilespmem:$0x10700] =	vst v63  }
0x1ad: {  	s22 =	sadd.s32 $0x2DC780, s22;
	s14 =	simm.s32 $0xF800  }
0x1ae: {  	[tilespmem:s14], [sflag:$0x2] =	stream.linear.gather [hbm4b:s22+s2], $0x400, $0x38;
	[tilespmem:$0x10700] =	vst v63  }
0x1af: {  	s23 =	simm.s32 $0x1C00;
	s22 =	spop (v2sf)  }
0x1b0: {  	(v2sf) =	vpush v33, $0xF;
	[tilespmem:s23], [sflag:$0x1] =	stream.linear.gather [hbm4b:s22+s2], $0x400, $0x38;
	[tilespmem:$0x10700] =	vst v63  }
0x1b1: {  	s14 =	simm.s32 $0x3C00;
	s0 =	sadd.s32 $0xF4280, s22  }
0x1b2: {  	[tilespmem:s14], [sflag:$0x1] =	stream.linear.gather [hbm4b:s0+s2], $0x400, $0x38;
	[tilespmem:$0x10700] =	vst v63  }
0x1b3: {  	s0 =	sadd.s32 $0x1E8500, s22;
	s14 =	simm.s32 $0x5C00  }
0x1b4: {  	[tilespmem:s14], [sflag:$0x1] =	stream.linear.gather [hbm4b:s0+s2], $0x400, $0x38;
	[tilespmem:$0x10700] =	vst v63  }
0x1b5: {  	s22 =	sadd.s32 $0x2DC780, s22;
	s14 =	simm.s32 $0x7C00  }
0x1b6: {  	[tilespmem:s14], [sflag:$0x1] =	stream.linear.gather [hbm4b:s22+s2], $0x400, $0x38;
	[tilespmem:$0x10700] =	vst v63  }
0x1b7: {  	s23 =	simm.s32 $0x9C00;
	s22 =	spop (v2sf)  }
0x1b8: {  	(v2sf) =	vpush v32, $0xF;
	[tilespmem:s23], [sflag:$0x2] =	stream.linear.gather [hbm4b:s22+s2], $0x400, $0x38;
	[tilespmem:$0x10700] =	vst v63  }
0x1b9: {  	s14 =	simm.s32 $0xBC00;
	s0 =	sadd.s32 $0xF4280, s22  }
0x1ba: {  	[tilespmem:s14], [sflag:$0x2] =	stream.linear.gather [hbm4b:s0+s2], $0x400, $0x38;
	[tilespmem:$0x10700] =	vst v63  }
0x1bb: {  	s0 =	sadd.s32 $0x1E8500, s22;
	s14 =	simm.s32 $0xDC00  }
0x1bc: {  	[tilespmem:s14], [sflag:$0x2] =	stream.linear.gather [hbm4b:s0+s2], $0x400, $0x38;
	[tilespmem:$0x10700] =	vst v63  }
0x1bd: {  	s22 =	sadd.s32 $0x2DC780, s22;
	s14 =	simm.s32 $0xFC00  }
0x1be: {  	[tilespmem:s14], [sflag:$0x2] =	stream.linear.gather [hbm4b:s22+s2], $0x400, $0x38;
	[tilespmem:$0x10700] =	vst v63  }
0x1bf: {  	s23 =	simm.s32 $0x2000;
	s22 =	spop (v2sf)  }
0x1c0: {  	[tilespmem:s23], [sflag:$0x1] =	stream.linear.gather [hbm4b:s22+s2], $0x400, $0x38;
	[tilespmem:$0x10700] =	vst v63  }
0x1c1: {  	s14 =	simm.s32 $0x4000;
	s0 =	sadd.s32 $0xF4280, s22  }
0x1c2: {  	[tilespmem:s14], [sflag:$0x1] =	stream.linear.gather [hbm4b:s0+s2], $0x400, $0x38;
	[tilespmem:$0x10700] =	vst v63  }
0x1c3: {  	s0 =	sadd.s32 $0x1E8500, s22;
	s14 =	simm.s32 $0x6000  }
0x1c4: {  	[tilespmem:s14], [sflag:$0x1] =	stream.linear.gather [hbm4b:s0+s2], $0x400, $0x38;
	[tilespmem:$0x10700] =	vst v63  }
0x1c5: {  	s22 =	sadd.s32 $0x2DC780, s22;
	s14 =	simm.s32 $0x8000  }
0x1c6: {  	[tilespmem:s14], [sflag:$0x1] =	stream.linear.gather [hbm4b:s22+s2], $0x400, $0x38;
	[tilespmem:$0x10700] =	vst v63  }
0x1c7: {  	s23 =	simm.s32 $0xA000;
	s22 =	spop (v2sf)  }
0x1c8: {  	[tilespmem:s23], [sflag:$0x2] =	stream.linear.gather [hbm4b:s22+s2], $0x400, $0x38;
	[tilespmem:$0x10700] =	vst v63  }
0x1c9: {  	s14 =	simm.s32 $0xC000;
	s0 =	sadd.s32 $0xF4280, s22  }
0x1ca: {  	[tilespmem:s14], [sflag:$0x2] =	stream.linear.gather [hbm4b:s0+s2], $0x400, $0x38;
	[tilespmem:$0x10700] =	vst v63  }
0x1cb: {  	s0 =	sadd.s32 $0x1E8500, s22;
	s14 =	simm.s32 $0xE000  }
0x1cc: {  	[tilespmem:s14], [sflag:$0x2] =	stream.linear.gather [hbm4b:s0+s2], $0x400, $0x38;
	[tilespmem:$0x10700] =	vst v63  }
0x1cd: {  	s23 =	simm.s32 $0x10000;
	s22 =	sadd.s32 $0x2DC780, s22  }
0x1ce: {  	v55 =	vbroadcast v34, $0x8;
	[tilespmem:s23], [sflag:$0x2] =	stream.linear.gather [hbm4b:s22+s2], $0x400, $0x38;
	[tilespmem:$0x10700] =	vst v63  }
0x1cf: {  	_ =	swait.ge [sflag:s15], $0x8000  }
0x1d0: {  	v56 =	vbroadcast v35, $0x8;
	v57 =	vor.u32 v0, v55;
	[sflag:s15] =	ssyncset.done $0x0  }
0x1d1: {  	v32 =	vor.u32 v1, v55;
	[sflag:s15] =	ssyncadd.s32 $0xFFFF8000  }
0x1d2: {  	v58 =	vor.u32 v0, v56;
	_ =	swait.ge [sflag:s17], $0x8000  }
0x1d3: {  	v33 =	vor.u32 v1, v56;
	[sflag:s17] =	ssyncset.done $0x0  }
0x1d4: {  	[sflag:s17] =	ssyncadd.s32 $0xFFFF8000  }
0x1d5: {  	v36 =	vld.idx.msk [tilespmem:v57+s9+$0x0], $0xffff  }
0x1d6: {  	v32 =	vld.idx.msk [tilespmem:v32+s9+$0x0], $0xffff  }
0x1d7: {  	v37 =	vld.idx.msk [tilespmem:v58+s13+$0x0], $0xffff  }
0x1d8: {  	v33 =	vld.idx.msk [tilespmem:v33+s13+$0x0], $0xffff;
	_ =	sdelay $0x2  }
0x1d9: {  	v59 =	vbroadcast v34, $0x9  }
0x1da: {  	v61 =	vbroadcast v35, $0x9  }
0x1db: {  	v60 =	vor.u32 v2, v59;
	v36 =	vmul.f32 v37, v36;
	v32 =	vmul.f32 v33, v32  }
0x1dc: {  	v38 =	vor.u32 v3, v59  }
0x1dd: {  	v62 =	vor.u32 v2, v61;
	v32 =	vadd.f32 v32, v36  }
0x1de: {  	v37 =	vor.u32 v3, v61  }
0x1df: {  	[tilespmem:$0x10480] =	vst v32  }
0x1e0: {  	v32 =	vld.idx.msk [tilespmem:v60+s9+$0x0], $0xffff  }
0x1e1: {  	v63 =	vld.idx.msk [tilespmem:v38+s9+$0x0], $0xffff  }
0x1e2: {  	v36 =	vld.idx.msk [tilespmem:v62+s13+$0x0], $0xffff  }
0x1e3: {  	v37 =	vld.idx.msk [tilespmem:v37+s13+$0x0], $0xffff;
	_ =	sdelay $0x2  }
0x1e4: {  	v40 =	vbroadcast v34, $0xA  }
0x1e5: {  	v42 =	vbroadcast v35, $0xA  }
0x1e6: {  	v41 =	vor.u32 v4, v40;
	v32 =	vmul.f32 v36, v32;
	v33 =	vmul.f32 v37, v63  }
0x1e7: {  	v38 =	vor.u32 v5, v40  }
0x1e8: {  	v43 =	vor.u32 v4, v42;
	v32 =	vadd.f32 v33, v32  }
0x1e9: {  	v37 =	vor.u32 v5, v42  }
0x1ea: {  	[tilespmem:$0x10490] =	vst v32  }
0x1eb: {  	v32 =	vld.idx.msk [tilespmem:v41+s9+$0x0], $0xffff  }
0x1ec: {  	v44 =	vld.idx.msk [tilespmem:v38+s9+$0x0], $0xffff  }
0x1ed: {  	v33 =	vld.idx.msk [tilespmem:v43+s13+$0x0], $0xffff  }
0x1ee: {  	v37 =	vld.idx.msk [tilespmem:v37+s13+$0x0], $0xffff;
	_ =	sdelay $0x2  }
0x1ef: {  	v45 =	vbroadcast v34, $0xB  }
0x1f0: {  	v48 =	vbroadcast v35, $0xB  }
0x1f1: {  	v47 =	vor.u32 v6, v45;
	v32 =	vmul.f32 v33, v32;
	v46 =	vmul.f32 v37, v44  }
0x1f2: {  	v38 =	vor.u32 v7, v45  }
0x1f3: {  	v49 =	vor.u32 v6, v48;
	v32 =	vadd.f32 v46, v32  }
0x1f4: {  	v37 =	vor.u32 v7, v48  }
0x1f5: {  	[tilespmem:$0x104A0] =	vst v32  }
0x1f6: {  	v32 =	vld.idx.msk [tilespmem:v47+s9+$0x0], $0xffff  }
0x1f7: {  	v50 =	vld.idx.msk [tilespmem:v38+s9+$0x0], $0xffff  }
0x1f8: {  	v33 =	vld.idx.msk [tilespmem:v49+s13+$0x0], $0xffff  }
0x1f9: {  	v37 =	vld.idx.msk [tilespmem:v37+s13+$0x0], $0xffff;
	_ =	sdelay $0x2  }
0x1fa: {  	v51 =	vbroadcast v34, $0xC  }
0x1fb: {  	v54 =	vbroadcast v35, $0xC  }
0x1fc: {  	v53 =	vor.u32 v8, v51;
	v32 =	vmul.f32 v33, v32;
	v52 =	vmul.f32 v37, v50  }
0x1fd: {  	v38 =	vor.u32 v9, v51  }
0x1fe: {  	v55 =	vor.u32 v8, v54;
	v32 =	vadd.f32 v52, v32  }
0x1ff: {  	v37 =	vor.u32 v9, v54  }
0x200: {  	[tilespmem:$0x104B0] =	vst v32  }
0x201: {  	v32 =	vld.idx.msk [tilespmem:v53+s9+$0x0], $0xffff  }
0x202: {  	v56 =	vld.idx.msk [tilespmem:v38+s9+$0x0], $0xffff  }
0x203: {  	v33 =	vld.idx.msk [tilespmem:v55+s13+$0x0], $0xffff  }
0x204: {  	v37 =	vld.idx.msk [tilespmem:v37+s13+$0x0], $0xffff;
	_ =	sdelay $0x2  }
0x205: {  	v57 =	vbroadcast v34, $0xD  }
0x206: {  	v60 =	vbroadcast v35, $0xD  }
0x207: {  	v59 =	vor.u32 v10, v57;
	v32 =	vmul.f32 v33, v32;
	v58 =	vmul.f32 v37, v56  }
0x208: {  	v38 =	vor.u32 v11, v57  }
0x209: {  	v61 =	vor.u32 v10, v60;
	v32 =	vadd.f32 v58, v32  }
0x20a: {  	v37 =	vor.u32 v11, v60  }
0x20b: {  	[tilespmem:$0x104C0] =	vst v32  }
0x20c: {  	v32 =	vld.idx.msk [tilespmem:v59+s9+$0x0], $0xffff  }
0x20d: {  	v62 =	vld.idx.msk [tilespmem:v38+s9+$0x0], $0xffff  }
0x20e: {  	v33 =	vld.idx.msk [tilespmem:v61+s13+$0x0], $0xffff  }
0x20f: {  	v37 =	vld.idx.msk [tilespmem:v37+s13+$0x0], $0xffff;
	_ =	sdelay $0x2  }
0x210: {  	v63 =	vbroadcast v34, $0xE  }
0x211: {  	v42 =	vbroadcast v35, $0xE  }
0x212: {  	v41 =	vor.u32 v12, v63;
	v32 =	vmul.f32 v33, v32;
	v40 =	vmul.f32 v37, v62  }
0x213: {  	v38 =	vor.u32 v14, v63  }
0x214: {  	v43 =	vor.u32 v12, v42;
	v32 =	vadd.f32 v40, v32  }
0x215: {  	v37 =	vor.u32 v14, v42  }
0x216: {  	[tilespmem:$0x104D0] =	vst v32  }
0x217: {  	v32 =	vld.idx.msk [tilespmem:v41+s9+$0x0], $0xffff  }
0x218: {  	v44 =	vld.idx.msk [tilespmem:v38+s9+$0x0], $0xffff  }
0x219: {  	v33 =	vld.idx.msk [tilespmem:v43+s13+$0x0], $0xffff  }
0x21a: {  	v37 =	vld.idx.msk [tilespmem:v37+s13+$0x0], $0xffff;
	_ =	sdelay $0x2  }
0x21b: {  	v34 =	vbroadcast v34, $0xF  }
0x21c: {  	v35 =	vbroadcast v35, $0xF  }
0x21d: {  	v46 =	vor.u32 v15, v34;
	v32 =	vmul.f32 v33, v32;
	v45 =	vmul.f32 v37, v44  }
0x21e: {  	v34 =	vor.u32 v16, v34  }
0x21f: {  	v47 =	vor.u32 v15, v35;
	v32 =	vadd.f32 v45, v32  }
0x220: {  	v35 =	vor.u32 v16, v35  }
0x221: {  	[tilespmem:$0x104E0] =	vst v32  }
0x222: {  	v32 =	vld.idx.msk [tilespmem:v46+s9+$0x0], $0xffff  }
0x223: {  	v34 =	vld.idx.msk [tilespmem:v34+s9+$0x0], $0xffff  }
0x224: {  	v33 =	vld.idx.msk [tilespmem:v47+s13+$0x0], $0xffff  }
0x225: {  	v35 =	vld.idx.msk [tilespmem:v35+s13+$0x0], $0xffff;
	_ =	sdelay $0x4  }
0x226: {  	v32 =	vmul.f32 v33, v32;
	v48 =	vmul.f32 v35, v34;
	_ =	sdelay $0x1  }
0x227: {  	v32 =	vadd.f32 v48, v32;
	_ =	sdelay $0x1  }
0x228: {  	[tilespmem:$0x104F0] =	vst v32  }
0x229: {  	v32 =	vld.idx.msk [tilespmem:v13+s19+$0x0], $0xffff;
	_ =	sdelay $0x1  }
0x22a: {  	v49 =	vld.idx.msk [tilespmem:v17+s19+$0x0], $0xffff;
	_ =	sdelay $0x1  }
0x22b: {  	v50 =	vld.idx.msk [tilespmem:v18+s19+$0x0], $0xffff  }
0x22c: {  	v32 =	vadd.f32 $0.0e+00, v32  }
0x22d: {  	v51 =	vld.idx.msk [tilespmem:v19+s19+$0x0], $0xffff  }
0x22e: {  	v32 =	vadd.f32 v49, v32  }
0x22f: {  	v52 =	vld.idx.msk [tilespmem:v20+s19+$0x0], $0xffff  }
0x230: {  	v32 =	vadd.f32 v50, v32  }
0x231: {  	v53 =	vld.idx.msk [tilespmem:v21+s19+$0x0], $0xffff  }
0x232: {  	v32 =	vadd.f32 v51, v32  }
0x233: {  	v54 =	vld.idx.msk [tilespmem:v22+s19+$0x0], $0xffff  }
0x234: {  	v32 =	vadd.f32 v52, v32  }
0x235: {  	v55 =	vld.idx.msk [tilespmem:v23+s19+$0x0], $0xffff  }
0x236: {  	v32 =	vadd.f32 v53, v32  }
0x237: {  	v56 =	vld.idx.msk [tilespmem:v24+s19+$0x0], $0xffff  }
0x238: {  	v32 =	vadd.f32 v54, v32  }
0x239: {  	v57 =	vld.idx.msk [tilespmem:v25+s19+$0x0], $0xffff  }
0x23a: {  	v32 =	vadd.f32 v55, v32  }
0x23b: {  	v58 =	vld.idx.msk [tilespmem:v26+s19+$0x0], $0xffff  }
0x23c: {  	v32 =	vadd.f32 v56, v32  }
0x23d: {  	v59 =	vld.idx.msk [tilespmem:v27+s19+$0x0], $0xffff  }
0x23e: {  	v32 =	vadd.f32 v57, v32  }
0x23f: {  	v60 =	vld.idx.msk [tilespmem:v28+s19+$0x0], $0xffff  }
0x240: {  	v32 =	vadd.f32 v58, v32  }
0x241: {  	v61 =	vld.idx.msk [tilespmem:v29+s19+$0x0], $0xffff  }
0x242: {  	v32 =	vadd.f32 v59, v32  }
0x243: {  	v62 =	vld.idx.msk [tilespmem:v30+s19+$0x0], $0xffff  }
0x244: {  	v32 =	vadd.f32 v60, v32  }
0x245: {  	v63 =	vld.idx.msk [tilespmem:v31+s19+$0x0], $0xffff  }
0x246: {  	v32 =	vadd.f32 v61, v32;
	_ =	sdelay $0x1  }
0x247: {  	v32 =	vadd.f32 v62, v32;
	_ =	sdelay $0x1  }
0x248: {  	v32 =	vadd.f32 v63, v32;
	_ =	sdelay $0x1  }
0x249: {  	v32 =	vsub.f32 $0.0e+00, v32;
	_ =	sdelay $0x1  }
0x24a: {  	v32 =	vmul.f32 $1.442695020e+00, v32;
	_ =	sdelay $0x1  }
0x24b: {  	(erf) = vpow2.f32 v32;
	_ =	sdelay $0x8  }
0x24c: {  	v32 =	vpop (erf)  }
0x24d: {  	v32 =	vadd.f32 $1.000000000e+00, v32;
	_ =	sdelay $0x1  }
0x24e: {  	(erf) = vrcp.f32 v32;
	_ =	sdelay $0x4  }
0x24f: {  	p0 =	sne.s32 s20, $0x7C0  }
.Ltmp0:
0x250: {  	_ = 	snop;
	(pc) =	sbr.rel @p0 .LBB2_2-.Ltmp0, $3  }
0x251: {  	_ =	sdelay $0x1  }
0x252: {  	v32 =	vpop (erf)  }
0x253: {  	s20 =	sadd.s32 $0x40, s20;
	[tilespmem:s21+$0x10500] =	vst v32  }
0x254: {  	s20 =	rddreg [dreg:$0x9];
	s0 =	simm.s32 $0x10500;
	s21 =	simm.s32 $0x3  }
0x255: {  	[hbm4b:s20+s2] =	stream.linear.scatter [tilespmem:s0], [sflag:$0x3], $0x200, $0x38;
	[tilespmem:$0x10700] =	vst v63  }
0x256: {  	_ =	swait.ge [sflag:s21], $0x200  }
0x257: {  	s22 =	rddreg [dreg:$0xb]  }
0x258: {  	s23 =	rddreg [dreg:$0xa];
	s0 =	sadd.s32 $0x1, s22  }
0x259: {  	p0 =	sne.s32 s0, s23  }
.Ltmp1:
0x25a: {  	_ = 	snop;
	(pc) =	sbr.rel @p0 .LBB2_1-.Ltmp1, $3  }
0x25b: {  	_ =	sdelay $0x1  }
0x25c: {  	[sflag:s21] =	ssyncset.done $0x0  }
0x25d: {  	[sflag:s21] =	ssyncadd.s32 $0xFFFFFE00  }
0x25e: {  	_ =	sfence.sel $0x180000  }
0x25f: {  	[bflag:$0x0] =	sbarrier.arrive $0xFFFF  }
0x260: {  	_ =	strace $0x90000047  }
0x261: {  	s0 =	stileid.u32;
	[bflag:$0x2] =	sbarrier.arrive $0xFFFF  }
0x262: {  	p0 =	sne.s32 s0, $0x0;
	s0 =	rddreg [dreg:$0x4]  }
0x263: {  	s0 =	sadd.s32 @!p0 $0x100000, s0  }
0x264: {  	[sflag:s0] =	ssyncadd.tile.s32 @!p0 $0x1;
	_ =	shalt  }
.Lfunc_end2:
_tile_overlayer_lowered:
.L_overlay_start_2:
0x265: {  	(tag) =	ssettag $0x2  }
0x266: {  	s0 =	rddreg [dreg:$0x0];
	s2 =	stileid.u32  }
0x267: {  	s1 =	rddreg [dreg:$0x1];
	p0 =	sne.s32 s2, $0x0  }
0x268: {  	s3 =	rddreg [dreg:$0x2];
	[bflag:$0x3] =	sbarrier.arrive $0xFFFF;
	s2 =	simm.s32 @!p0 $0x1C03  }
0x269: {  	[timem:s3], [sflag:s2] =	dma.local @!p0 [hbm:s0], s1  }
0x26a: {  	s0 =	simm.s32 @!p0 $0x3  }
0x26b: {  	_ =	swait.ge @!p0 [sflag:s0], s1  }
0x26c: {  	s1 =	ssub.s32 @!p0 $0x0, s1;
	[sflag:s0] =	ssyncset.done @!p0 $0x0  }
0x26d: {  	[sflag:s0] =	ssyncadd.s32 @!p0 s1  }
0x26e: {  	[bflag:$0x3] =	sbarrier.arrive $0xFFFF  }
0x26f: {  	_ =	shalt  }

</sc_bundles>
